<compile_context>
chip_gen: v7x
topology: tpu7x:2x2x1
jax: 0.10.2.dev20260603
libtpu: 0.0.44.dev20260713+nightly
codegen_flags: <defaults>
</compile_context>

<pallas_src>
import functools

import jax
import jax.numpy as jnp
from jax import lax
from jax.experimental import pallas as pl
from jax.experimental.pallas import tpu as pltpu
from jax.experimental.pallas import tpu_sc as plsc


_NC, _NS, _L = 2, 16, 16
_NW = _NC * _NS
_V = 1024
_D = 128
_B = 1024
_ROWS_PER_W = _B // _NW
_VCHUNK = 128
_NCHUNK = _V // _VCHUNK
_NJ = _D // _L


def _sc_pool_kernel(x_hbm, table_hbm, esum_hbm, tch_v, xrow_v, acc_v):
    wid = lax.axis_index("s") * _NC + lax.axis_index("c")
    base = wid * _ROWS_PER_W

    def zero_row(r, _):
        for j in range(_NJ):
            acc_v[r, pl.ds(_L * j, _L)] = jnp.zeros((_L,), jnp.float32)
        return 0

    lax.fori_loop(0, _ROWS_PER_W, zero_row, 0)

    def chunk_body(c, _):
        pltpu.sync_copy(table_hbm.at[pl.ds(c * _VCHUNK, _VCHUNK), :], tch_v)

        def row_body(r, _):
            pltpu.sync_copy(x_hbm.at[pl.ds(base + r, 1), :], xrow_v)
            acc = tuple(acc_v[r, pl.ds(_L * j, _L)] for j in range(_NJ))

            def v_body(g, acc):
                xf = xrow_v[0, pl.ds(c * _VCHUNK + g * _L, _L)].astype(
                    jnp.float32
                )
                acc = list(acc)
                for k in range(_L):
                    xs = xf[k]
                    for j in range(_NJ):
                        acc[j] = acc[j] + xs * tch_v[
                            g * _L + k, pl.ds(_L * j, _L)
                        ]
                return tuple(acc)

            acc = lax.fori_loop(0, _VCHUNK // _L, v_body, acc)
            for j in range(_NJ):
                acc_v[r, pl.ds(_L * j, _L)] = acc[j]
            return 0

        lax.fori_loop(0, _ROWS_PER_W, row_body, 0)
        return 0

    lax.fori_loop(0, _NCHUNK, chunk_body, 0)
    pltpu.sync_copy(acc_v, esum_hbm.at[pl.ds(base, _ROWS_PER_W), :])


def _sc_pool(x, table):
    mesh = plsc.VectorSubcoreMesh(core_axis_name="c", subcore_axis_name="s")
    k = pl.kernel(
        _sc_pool_kernel,
        out_type=jax.ShapeDtypeStruct((_B, _D), jnp.float32),
        mesh=mesh,
        scratch_types=[
            pltpu.VMEM((_VCHUNK, _D), jnp.float32),
            pltpu.VMEM((1, _V), jnp.int32),
            pltpu.VMEM((_ROWS_PER_W, _D), jnp.float32),
        ],
    )
    return k(x, table)


_B_BLK = 512


def _ffn_kernel(x_ref, esum_ref, w1_ref, b1_ref, w2_ref, b2_ref, out_ref):
    cnt = jnp.sum(x_ref[...].astype(jnp.float32), axis=1, keepdims=True)
    e = esum_ref[...] / (cnt + 1e-6)
    h = jnp.maximum(
        jnp.dot(e, w1_ref[...], preferred_element_type=jnp.float32)
        + b1_ref[...],
        0.0,
    )
    out_ref[...] = (
        jnp.sum(h * w2_ref[...], axis=1, keepdims=True) + b2_ref[0, 0]
    )


def kernel(x, table, W1, b1, W2, b2):
    B, V = x.shape
    D = table.shape[1]
    H = W1.shape[1]
    esum = _sc_pool(x, table)
    b1r = b1.reshape(1, H)
    w2r = W2.reshape(1, H)
    b2r = b2.reshape(1, 1)
    grid = (B // _B_BLK,)
    out = pl.pallas_call(
        _ffn_kernel,
        grid=grid,
        in_specs=[
            pl.BlockSpec((_B_BLK, V), lambda i: (i, 0)),
            pl.BlockSpec((_B_BLK, D), lambda i: (i, 0)),
            pl.BlockSpec((D, H), lambda i: (0, 0)),
            pl.BlockSpec((1, H), lambda i: (0, 0)),
            pl.BlockSpec((1, H), lambda i: (0, 0)),
            pl.BlockSpec((1, 1), lambda i: (0, 0)),
        ],
        out_specs=pl.BlockSpec((_B_BLK, 1), lambda i: (i, 0)),
        out_shape=jax.ShapeDtypeStruct((B, 1), jnp.float32),
    )(x, esum, W1, b1r, w2r, b2r)
    return out

# --- scband reference (transcript-rebuilt; emitter-appended) ---
"""Pipeline reference for scband-embedding-ffn-24008867184745 (READ-ONLY COPY).

The authoritative reference and input builder live on the scoring server;
editing this copy changes nothing except your own understanding.
"""

import jax, jax.numpy as jnp
import numpy as np


def setup_inputs(seed: int = 0) -> dict:
    key = jax.random.key(seed)
    ks = jax.random.split(key, 6)
    B, V, D, H = 1024, 1024, 128, 256
    # dense multi-hot input: 0/1 entries, ~50% density
    x = jax.random.randint(ks[0], (B, V), 0, 2, dtype=jnp.int32)
    # learned parameters
    table = jax.random.normal(ks[1], (V, D), dtype=jnp.float32) * 0.02
    W1 = jax.random.normal(ks[2], (D, H), dtype=jnp.float32) * 0.05
    b1 = jnp.zeros((H,), dtype=jnp.float32)
    W2 = jax.random.normal(ks[3], (H, 1), dtype=jnp.float32) * 0.05
    b2 = jnp.zeros((1,), dtype=jnp.float32)
    return {"x": x, "table": table, "W1": W1, "b1": b1, "W2": W2, "b2": b2}


def reference(x, table, W1, b1, W2, b2):
    # SparseEmbed1d: nonzero -> embedding gather -> index_add mean pooling
    B = x.shape[0]
    V = x.shape[1]
    rows, cols = jnp.nonzero(x, size=B * V, fill_value=(B, 0))
    embed = jnp.take(table, cols, axis=0)                      # gather
    D = table.shape[1]
    embed_sum = jnp.zeros((B, D), dtype=jnp.float32).at[rows].add(embed)   # scatter-add
    count = jnp.zeros((B,), dtype=jnp.float32).at[rows].add(jnp.ones(rows.shape[0], dtype=jnp.float32))
    count = count[:, None] + 1e-06
    e = embed_sum / count
    # FeedForwardNet with n_layers=1: Linear(D, H) -> ReLU -> Linear(H, 1)
    # (dropout is identity in eval mode)
    h = jax.nn.relu(e @ W1 + b1)
    out = h @ W2 + b2
    return out

if __name__ == "__main__":
    import jax
    _d = setup_inputs()
    print(jax.jit(kernel)(*tuple(_d.values())))

</pallas_src>

<mosaic_0001>
#map = affine_map<(d0, d1) -> (0, 0)>
module attributes {stable_mosaic.version = 14 : i64} {
  func.func @_sc_pool_kernel(%arg0: i32, %arg1: i32, %arg2: memref<1024x1024xi32, #tpu.memory_space<hbm>>, %arg3: memref<1024x128xf32, #tpu.memory_space<hbm>>, %arg4: memref<1024x128xf32, #tpu.memory_space<hbm>>, %arg5: memref<128x128xf32, #tpu.memory_space<vmem>>, %arg6: memref<1x1024xi32, #tpu.memory_space<vmem>>, %arg7: memref<32x128xf32, #tpu.memory_space<vmem>>) attributes {dimension_semantics = [#tpu.dimension_semantics<core_parallel>, #tpu.dimension_semantics<subcore_parallel>], iteration_bounds = array<i64: 2, 16>, scalar_prefetch = 0 : i64, scratch_operands = 3 : i64, tpu.core_type = #tpu.core_type<sc_vector_subcore>, window_params = [{transform_indices = #map}, {transform_indices = #map}, {transform_indices = #map}]} {
    %mul3A = arith.constant 2 : i32
    %mul3A_0 = arith.muli %arg1, %mul3A : i32
    %add3A = arith.addi %mul3A_0, %arg0 : i32
    %mul3A_1 = arith.constant 32 : i32
    %mul3A_2 = arith.muli %add3A, %mul3A_1 : i32
    %scan3A = arith.constant 0 : i32
    %scan3A_3 = arith.constant 0 : i32
    %scan3A_4 = arith.constant 32 : i32
    %scan3A_5 = arith.addi %scan3A_3, %scan3A_4 : i32
    %scan3A_6 = arith.constant 1 : i32
    %scan3A_7 = scf.for %scan3A_16 = %scan3A_3 to %scan3A_5 step %scan3A_6 iter_args(%scan3A_17 = %scan3A) -> (i32)  : i32 {
      %broadcast_in_dim3A = arith.constant 0.000000e+00 : f32
      %broadcast_in_dim3A_18 = vector.broadcast %broadcast_in_dim3A : f32 to vector<16xf32>
      %swap3A = arith.index_cast %scan3A_16 : i32 to index
      %swap3A_19 = arith.constant 0 : index
      %swap3A_20 = tpu.vector_load %arg7[%swap3A, %swap3A_19] {strides = array<i32>} : memref<32x128xf32, #tpu.memory_space<vmem>>, vector<1x16xf32>,
      %swap3A_21 = vector.shape_cast %swap3A_20 : vector<1x16xf32> to vector<16xf32>
      %swap3A_22 = vector.shape_cast %broadcast_in_dim3A_18 : vector<16xf32> to vector<1x16xf32>
      tpu.vector_store %arg7[%swap3A, %swap3A_19], %swap3A_22 {strides = array<i32>} : memref<32x128xf32, #tpu.memory_space<vmem>>, vector<1x16xf32>,
      %broadcast_in_dim3A_23 = arith.constant 0.000000e+00 : f32
      %broadcast_in_dim3A_24 = vector.broadcast %broadcast_in_dim3A_23 : f32 to vector<16xf32>
      %swap3A_25 = arith.index_cast %scan3A_16 : i32 to index
      %swap3A_26 = arith.constant 16 : index
      %swap3A_27 = tpu.vector_load %arg7[%swap3A_25, %swap3A_26] {strides = array<i32>} : memref<32x128xf32, #tpu.memory_space<vmem>>, vector<1x16xf32>,
      %swap3A_28 = vector.shape_cast %swap3A_27 : vector<1x16xf32> to vector<16xf32>
      %swap3A_29 = vector.shape_cast %broadcast_in_dim3A_24 : vector<16xf32> to vector<1x16xf32>
      tpu.vector_store %arg7[%swap3A_25, %swap3A_26], %swap3A_29 {strides = array<i32>} : memref<32x128xf32, #tpu.memory_space<vmem>>, vector<1x16xf32>,
      %broadcast_in_dim3A_30 = arith.constant 0.000000e+00 : f32
      %broadcast_in_dim3A_31 = vector.broadcast %broadcast_in_dim3A_30 : f32 to vector<16xf32>
      %swap3A_32 = arith.index_cast %scan3A_16 : i32 to index
      %swap3A_33 = arith.constant 32 : index
      %swap3A_34 = tpu.vector_load %arg7[%swap3A_32, %swap3A_33] {strides = array<i32>} : memref<32x128xf32, #tpu.memory_space<vmem>>, vector<1x16xf32>,
      %swap3A_35 = vector.shape_cast %swap3A_34 : vector<1x16xf32> to vector<16xf32>
      %swap3A_36 = vector.shape_cast %broadcast_in_dim3A_31 : vector<16xf32> to vector<1x16xf32>
      tpu.vector_store %arg7[%swap3A_32, %swap3A_33], %swap3A_36 {strides = array<i32>} : memref<32x128xf32, #tpu.memory_space<vmem>>, vector<1x16xf32>,
      %broadcast_in_dim3A_37 = arith.constant 0.000000e+00 : f32
      %broadcast_in_dim3A_38 = vector.broadcast %broadcast_in_dim3A_37 : f32 to vector<16xf32>
      %swap3A_39 = arith.index_cast %scan3A_16 : i32 to index
      %swap3A_40 = arith.constant 48 : index
      %swap3A_41 = tpu.vector_load %arg7[%swap3A_39, %swap3A_40] {strides = array<i32>} : memref<32x128xf32, #tpu.memory_space<vmem>>, vector<1x16xf32>,
      %swap3A_42 = vector.shape_cast %swap3A_41 : vector<1x16xf32> to vector<16xf32>
      %swap3A_43 = vector.shape_cast %broadcast_in_dim3A_38 : vector<16xf32> to vector<1x16xf32>
      tpu.vector_store %arg7[%swap3A_39, %swap3A_40], %swap3A_43 {strides = array<i32>} : memref<32x128xf32, #tpu.memory_space<vmem>>, vector<1x16xf32>,
      %broadcast_in_dim3A_44 = arith.constant 0.000000e+00 : f32
      %broadcast_in_dim3A_45 = vector.broadcast %broadcast_in_dim3A_44 : f32 to vector<16xf32>
      %swap3A_46 = arith.index_cast %scan3A_16 : i32 to index
      %swap3A_47 = arith.constant 64 : index
      %swap3A_48 = tpu.vector_load %arg7[%swap3A_46, %swap3A_47] {strides = array<i32>} : memref<32x128xf32, #tpu.memory_space<vmem>>, vector<1x16xf32>,
      %swap3A_49 = vector.shape_cast %swap3A_48 : vector<1x16xf32> to vector<16xf32>
      %swap3A_50 = vector.shape_cast %broadcast_in_dim3A_45 : vector<16xf32> to vector<1x16xf32>
      tpu.vector_store %arg7[%swap3A_46, %swap3A_47], %swap3A_50 {strides = array<i32>} : memref<32x128xf32, #tpu.memory_space<vmem>>, vector<1x16xf32>,
      %broadcast_in_dim3A_51 = arith.constant 0.000000e+00 : f32
      %broadcast_in_dim3A_52 = vector.broadcast %broadcast_in_dim3A_51 : f32 to vector<16xf32>
      %swap3A_53 = arith.index_cast %scan3A_16 : i32 to index
      %swap3A_54 = arith.constant 80 : index
      %swap3A_55 = tpu.vector_load %arg7[%swap3A_53, %swap3A_54] {strides = array<i32>} : memref<32x128xf32, #tpu.memory_space<vmem>>, vector<1x16xf32>,
      %swap3A_56 = vector.shape_cast %swap3A_55 : vector<1x16xf32> to vector<16xf32>
      %swap3A_57 = vector.shape_cast %broadcast_in_dim3A_52 : vector<16xf32> to vector<1x16xf32>
      tpu.vector_store %arg7[%swap3A_53, %swap3A_54], %swap3A_57 {strides = array<i32>} : memref<32x128xf32, #tpu.memory_space<vmem>>, vector<1x16xf32>,
      %broadcast_in_dim3A_58 = arith.constant 0.000000e+00 : f32
      %broadcast_in_dim3A_59 = vector.broadcast %broadcast_in_dim3A_58 : f32 to vector<16xf32>
      %swap3A_60 = arith.index_cast %scan3A_16 : i32 to index
      %swap3A_61 = arith.constant 96 : index
      %swap3A_62 = tpu.vector_load %arg7[%swap3A_60, %swap3A_61] {strides = array<i32>} : memref<32x128xf32, #tpu.memory_space<vmem>>, vector<1x16xf32>,
      %swap3A_63 = vector.shape_cast %swap3A_62 : vector<1x16xf32> to vector<16xf32>
      %swap3A_64 = vector.shape_cast %broadcast_in_dim3A_59 : vector<16xf32> to vector<1x16xf32>
      tpu.vector_store %arg7[%swap3A_60, %swap3A_61], %swap3A_64 {strides = array<i32>} : memref<32x128xf32, #tpu.memory_space<vmem>>, vector<1x16xf32>,
      %broadcast_in_dim3A_65 = arith.constant 0.000000e+00 : f32
      %broadcast_in_dim3A_66 = vector.broadcast %broadcast_in_dim3A_65 : f32 to vector<16xf32>
      %swap3A_67 = arith.index_cast %scan3A_16 : i32 to index
      %swap3A_68 = arith.constant 112 : index
      %swap3A_69 = tpu.vector_load %arg7[%swap3A_67, %swap3A_68] {strides = array<i32>} : memref<32x128xf32, #tpu.memory_space<vmem>>, vector<1x16xf32>,
      %swap3A_70 = vector.shape_cast %swap3A_69 : vector<1x16xf32> to vector<16xf32>
      %swap3A_71 = vector.shape_cast %broadcast_in_dim3A_66 : vector<16xf32> to vector<1x16xf32>
      tpu.vector_store %arg7[%swap3A_67, %swap3A_68], %swap3A_71 {strides = array<i32>} : memref<32x128xf32, #tpu.memory_space<vmem>>, vector<1x16xf32>,
      %scan3A_72 = arith.constant 0 : i32
      scf.yield %scan3A_72 : i32
    }
    %scan3A_8 = arith.constant 32 : i32
    %scan3A_9 = arith.constant 0 : i32
    %scan3A_10 = arith.constant 0 : i32
    %scan3A_11 = arith.constant 8 : i32
    %scan3A_12 = arith.addi %scan3A_10, %scan3A_11 : i32
    %scan3A_13 = arith.constant 1 : i32
    %scan3A_14 = scf.for %scan3A_16 = %scan3A_10 to %scan3A_12 step %scan3A_13 iter_args(%scan3A_17 = %scan3A_9) -> (i32)  : i32 {
      %mul3A_18 = arith.constant 128 : i32
      %mul3A_19 = arith.muli %scan3A_16, %mul3A_18 : i32
      "tpu.region"() ({
        %run_scoped3A = tpu.sem_alloc : memref<!tpu.dma_semaphore, #tpu.memory_space<semaphore_mem>>
        %dma_start3A = arith.constant 0 : i32
        %dma_start3A_28 = tpu.memref_slice %arg3[%mul3A_19, %dma_start3A] : memref<1024x128xf32, #tpu.memory_space<hbm>> -> memref<128x128xf32, #tpu.memory_space<hbm>>
        %dma_start3A_29 = arith.constant 0 : i32
        %dma_start3A_30 = tpu.memref_slice %arg3[%mul3A_19, %dma_start3A_29] : memref<1024x128xf32, #tpu.memory_space<hbm>> -> memref<128x128xf32, #tpu.memory_space<hbm>>
        tpu.enqueue_dma source(%dma_start3A_30 : memref<128x128xf32, #tpu.memory_space<hbm>>) target(%arg5 : memref<128x128xf32, #tpu.memory_space<vmem>>) target_semaphore(%run_scoped3A : memref<!tpu.dma_semaphore, #tpu.memory_space<semaphore_mem>>)
        %dma_wait3A = arith.constant 0 : i32
        %dma_wait3A_31 = tpu.memref_slice %arg3[%mul3A_19, %dma_wait3A] : memref<1024x128xf32, #tpu.memory_space<hbm>> -> memref<128x128xf32, #tpu.memory_space<hbm>>
        %dma_wait3A_32 = arith.constant 0 : i32
        %dma_wait3A_33 = tpu.memref_slice %arg3[%mul3A_19, %dma_wait3A_32] : memref<1024x128xf32, #tpu.memory_space<hbm>> -> memref<128x128xf32, #tpu.memory_space<hbm>>
        tpu.wait_dma2 semaphore(%run_scoped3A : memref<!tpu.dma_semaphore, #tpu.memory_space<semaphore_mem>>) src(%dma_wait3A_33 : memref<128x128xf32, #tpu.memory_space<hbm>>) dst(%arg5 : memref<128x128xf32, #tpu.memory_space<vmem>>)
        tpu.yield
      }) : () -> ()
      %scan3A_20 = arith.constant 0 : i32
      %scan3A_21 = arith.constant 0 : i32
      %scan3A_22 = arith.constant 32 : i32
      %scan3A_23 = arith.addi %scan3A_21, %scan3A_22 : i32
      %scan3A_24 = arith.constant 1 : i32
      %scan3A_25 = scf.for %scan3A_28 = %scan3A_21 to %scan3A_23 step %scan3A_24 iter_args(%scan3A_29 = %scan3A_20) -> (i32)  : i32 {
        %add3A_30 = arith.addi %mul3A_2, %scan3A_28 : i32
        "tpu.region"() ({
          %run_scoped3A = tpu.sem_alloc : memref<!tpu.dma_semaphore, #tpu.memory_space<semaphore_mem>>
          %dma_start3A = arith.constant 0 : i32
          %dma_start3A_108 = tpu.memref_slice %arg2[%add3A_30, %dma_start3A] : memref<1024x1024xi32, #tpu.memory_space<hbm>> -> memref<1x1024xi32, #tpu.memory_space<hbm>>
          %dma_start3A_109 = arith.constant 0 : i32
          %dma_start3A_110 = tpu.memref_slice %arg2[%add3A_30, %dma_start3A_109] : memref<1024x1024xi32, #tpu.memory_space<hbm>> -> memref<1x1024xi32, #tpu.memory_space<hbm>>
          tpu.enqueue_dma source(%dma_start3A_110 : memref<1x1024xi32, #tpu.memory_space<hbm>>) target(%arg6 : memref<1x1024xi32, #tpu.memory_space<vmem>>) target_semaphore(%run_scoped3A : memref<!tpu.dma_semaphore, #tpu.memory_space<semaphore_mem>>)
          %dma_wait3A = arith.constant 0 : i32
          %dma_wait3A_111 = tpu.memref_slice %arg2[%add3A_30, %dma_wait3A] : memref<1024x1024xi32, #tpu.memory_space<hbm>> -> memref<1x1024xi32, #tpu.memory_space<hbm>>
          %dma_wait3A_112 = arith.constant 0 : i32
          %dma_wait3A_113 = tpu.memref_slice %arg2[%add3A_30, %dma_wait3A_112] : memref<1024x1024xi32, #tpu.memory_space<hbm>> -> memref<1x1024xi32, #tpu.memory_space<hbm>>
          tpu.wait_dma2 semaphore(%run_scoped3A : memref<!tpu.dma_semaphore, #tpu.memory_space<semaphore_mem>>) src(%dma_wait3A_113 : memref<1x1024xi32, #tpu.memory_space<hbm>>) dst(%arg6 : memref<1x1024xi32, #tpu.memory_space<vmem>>)
          tpu.yield
        }) : () -> ()
        %get3A = arith.index_cast %scan3A_28 : i32 to index
        %get3A_31 = arith.constant 0 : index
        %get3A_32 = tpu.vector_load %arg7[%get3A, %get3A_31] {strides = array<i32>} : memref<32x128xf32, #tpu.memory_space<vmem>>, vector<1x16xf32>,
        %get3A_33 = vector.shape_cast %get3A_32 : vector<1x16xf32> to vector<16xf32>
        %get3A_34 = arith.index_cast %scan3A_28 : i32 to index
        %get3A_35 = arith.constant 16 : index
        %get3A_36 = tpu.vector_load %arg7[%get3A_34, %get3A_35] {strides = array<i32>} : memref<32x128xf32, #tpu.memory_space<vmem>>, vector<1x16xf32>,
        %get3A_37 = vector.shape_cast %get3A_36 : vector<1x16xf32> to vector<16xf32>
        %get3A_38 = arith.index_cast %scan3A_28 : i32 to index
        %get3A_39 = arith.constant 32 : index
        %get3A_40 = tpu.vector_load %arg7[%get3A_38, %get3A_39] {strides = array<i32>} : memref<32x128xf32, #tpu.memory_space<vmem>>, vector<1x16xf32>,
        %get3A_41 = vector.shape_cast %get3A_40 : vector<1x16xf32> to vector<16xf32>
        %get3A_42 = arith.index_cast %scan3A_28 : i32 to index
        %get3A_43 = arith.constant 48 : index
        %get3A_44 = tpu.vector_load %arg7[%get3A_42, %get3A_43] {strides = array<i32>} : memref<32x128xf32, #tpu.memory_space<vmem>>, vector<1x16xf32>,
        %get3A_45 = vector.shape_cast %get3A_44 : vector<1x16xf32> to vector<16xf32>
        %get3A_46 = arith.index_cast %scan3A_28 : i32 to index
        %get3A_47 = arith.constant 64 : index
        %get3A_48 = tpu.vector_load %arg7[%get3A_46, %get3A_47] {strides = array<i32>} : memref<32x128xf32, #tpu.memory_space<vmem>>, vector<1x16xf32>,
        %get3A_49 = vector.shape_cast %get3A_48 : vector<1x16xf32> to vector<16xf32>
        %get3A_50 = arith.index_cast %scan3A_28 : i32 to index
        %get3A_51 = arith.constant 80 : index
        %get3A_52 = tpu.vector_load %arg7[%get3A_50, %get3A_51] {strides = array<i32>} : memref<32x128xf32, #tpu.memory_space<vmem>>, vector<1x16xf32>,
        %get3A_53 = vector.shape_cast %get3A_52 : vector<1x16xf32> to vector<16xf32>
        %get3A_54 = arith.index_cast %scan3A_28 : i32 to index
        %get3A_55 = arith.constant 96 : index
        %get3A_56 = tpu.vector_load %arg7[%get3A_54, %get3A_55] {strides = array<i32>} : memref<32x128xf32, #tpu.memory_space<vmem>>, vector<1x16xf32>,
        %get3A_57 = vector.shape_cast %get3A_56 : vector<1x16xf32> to vector<16xf32>
        %get3A_58 = arith.index_cast %scan3A_28 : i32 to index
        %get3A_59 = arith.constant 112 : index
        %get3A_60 = tpu.vector_load %arg7[%get3A_58, %get3A_59] {strides = array<i32>} : memref<32x128xf32, #tpu.memory_space<vmem>>, vector<1x16xf32>,
        %get3A_61 = vector.shape_cast %get3A_60 : vector<1x16xf32> to vector<16xf32>
        %scan3A_62 = arith.constant 0 : i32
        %scan3A_63 = arith.constant 8 : i32
        %scan3A_64 = arith.addi %scan3A_62, %scan3A_63 : i32
        %scan3A_65 = arith.constant 1 : i32
        %scan3A_66:8 = scf.for %scan3A_108 = %scan3A_62 to %scan3A_64 step %scan3A_65 iter_args(%scan3A_109 = %get3A_33, %scan3A_110 = %get3A_37, %scan3A_111 = %get3A_41, %scan3A_112 = %get3A_45, %scan3A_113 = %get3A_49, %scan3A_114 = %get3A_53, %scan3A_115 = %get3A_57, %scan3A_116 = %get3A_61) -> (vector<16xf32>, vector<16xf32>, vector<16xf32>, vector<16xf32>, vector<16xf32>, vector<16xf32>, vector<16xf32>, vector<16xf32>)  : i32 {
          %mul3A_117 = arith.constant 128 : i32
          %mul3A_118 = arith.muli %scan3A_16, %mul3A_117 : i32
          %mul3A_119 = arith.constant 16 : i32
          %mul3A_120 = arith.muli %scan3A_108, %mul3A_119 : i32
          %add3A_121 = arith.addi %mul3A_118, %mul3A_120 : i32
          %get3A_122 = arith.constant 0 : i32
          %get3A_123 = arith.index_cast %get3A_122 : i32 to index
          %get3A_124 = arith.index_cast %add3A_121 : i32 to index
          %get3A_125 = tpu.vector_load %arg6[%get3A_123, %get3A_124] {strides = array<i32>} : memref<1x1024xi32, #tpu.memory_space<vmem>>, vector<1x16xi32>,
          %get3A_126 = vector.shape_cast %get3A_125 : vector<1x16xi32> to vector<16xi32>
          %convert_element_type3A = arith.sitofp %get3A_126 : vector<16xi32> to vector<16xf32>
          %slice3A = vector.extract_strided_slice %convert_element_type3A {offsets = [0], sizes = [1], strides = [1]} : vector<16xf32> to vector<1xf32>
          %squeeze3A = vector.extract %slice3A[0] : f32 from vector<1xf32>
          %mul3A_127 = arith.constant 16 : i32
          %mul3A_128 = arith.muli %scan3A_108, %mul3A_127 : i32
          %add3A_129 = arith.constant 0 : i32
          %add3A_130 = arith.addi %mul3A_128, %add3A_129 : i32
          %get3A_131 = arith.index_cast %add3A_130 : i32 to index
          %get3A_132 = arith.constant 0 : index
          %get3A_133 = tpu.vector_load %arg5[%get3A_131, %get3A_132] {strides = array<i32>} : memref<128x128xf32, #tpu.memory_space<vmem>>, vector<1x16xf32>,
          %get3A_134 = vector.shape_cast %get3A_133 : vector<1x16xf32> to vector<16xf32>
          %mul3A_135 = vector.broadcast %squeeze3A : f32 to vector<16xf32>
          %mul3A_136 = arith.mulf %mul3A_135, %get3A_134 : vector<16xf32>
          %add3A_137 = arith.addf %scan3A_109, %mul3A_136 : vector<16xf32>
          %mul3A_138 = arith.constant 16 : i32
          %mul3A_139 = arith.muli %scan3A_108, %mul3A_138 : i32
          %add3A_140 = arith.constant 0 : i32
          %add3A_141 = arith.addi %mul3A_139, %add3A_140 : i32
          %get3A_142 = arith.index_cast %add3A_141 : i32 to index
          %get3A_143 = arith.constant 16 : index
          %get3A_144 = tpu.vector_load %arg5[%get3A_142, %get3A_143] {strides = array<i32>} : memref<128x128xf32, #tpu.memory_space<vmem>>, vector<1x16xf32>,
          %get3A_145 = vector.shape_cast %get3A_144 : vector<1x16xf32> to vector<16xf32>
          %mul3A_146 = vector.broadcast %squeeze3A : f32 to vector<16xf32>
          %mul3A_147 = arith.mulf %mul3A_146, %get3A_145 : vector<16xf32>
          %add3A_148 = arith.addf %scan3A_110, %mul3A_147 : vector<16xf32>
          %mul3A_149 = arith.constant 16 : i32
          %mul3A_150 = arith.muli %scan3A_108, %mul3A_149 : i32
          %add3A_151 = arith.constant 0 : i32
          %add3A_152 = arith.addi %mul3A_150, %add3A_151 : i32
          %get3A_153 = arith.index_cast %add3A_152 : i32 to index
          %get3A_154 = arith.constant 32 : index
          %get3A_155 = tpu.vector_load %arg5[%get3A_153, %get3A_154] {strides = array<i32>} : memref<128x128xf32, #tpu.memory_space<vmem>>, vector<1x16xf32>,
          %get3A_156 = vector.shape_cast %get3A_155 : vector<1x16xf32> to vector<16xf32>
          %mul3A_157 = vector.broadcast %squeeze3A : f32 to vector<16xf32>
          %mul3A_158 = arith.mulf %mul3A_157, %get3A_156 : vector<16xf32>
          %add3A_159 = arith.addf %scan3A_111, %mul3A_158 : vector<16xf32>
          %mul3A_160 = arith.constant 16 : i32
          %mul3A_161 = arith.muli %scan3A_108, %mul3A_160 : i32
          %add3A_162 = arith.constant 0 : i32
          %add3A_163 = arith.addi %mul3A_161, %add3A_162 : i32
          %get3A_164 = arith.index_cast %add3A_163 : i32 to index
          %get3A_165 = arith.constant 48 : index
          %get3A_166 = tpu.vector_load %arg5[%get3A_164, %get3A_165] {strides = array<i32>} : memref<128x128xf32, #tpu.memory_space<vmem>>, vector<1x16xf32>,
          %get3A_167 = vector.shape_cast %get3A_166 : vector<1x16xf32> to vector<16xf32>
          %mul3A_168 = vector.broadcast %squeeze3A : f32 to vector<16xf32>
          %mul3A_169 = arith.mulf %mul3A_168, %get3A_167 : vector<16xf32>
          %add3A_170 = arith.addf %scan3A_112, %mul3A_169 : vector<16xf32>
          %mul3A_171 = arith.constant 16 : i32
          %mul3A_172 = arith.muli %scan3A_108, %mul3A_171 : i32
          %add3A_173 = arith.constant 0 : i32
          %add3A_174 = arith.addi %mul3A_172, %add3A_173 : i32
          %get3A_175 = arith.index_cast %add3A_174 : i32 to index
          %get3A_176 = arith.constant 64 : index
          %get3A_177 = tpu.vector_load %arg5[%get3A_175, %get3A_176] {strides = array<i32>} : memref<128x128xf32, #tpu.memory_space<vmem>>, vector<1x16xf32>,
          %get3A_178 = vector.shape_cast %get3A_177 : vector<1x16xf32> to vector<16xf32>
          %mul3A_179 = vector.broadcast %squeeze3A : f32 to vector<16xf32>
          %mul3A_180 = arith.mulf %mul3A_179, %get3A_178 : vector<16xf32>
          %add3A_181 = arith.addf %scan3A_113, %mul3A_180 : vector<16xf32>
          %mul3A_182 = arith.constant 16 : i32
          %mul3A_183 = arith.muli %scan3A_108, %mul3A_182 : i32
          %add3A_184 = arith.constant 0 : i32
          %add3A_185 = arith.addi %mul3A_183, %add3A_184 : i32
          %get3A_186 = arith.index_cast %add3A_185 : i32 to index
          %get3A_187 = arith.constant 80 : index
          %get3A_188 = tpu.vector_load %arg5[%get3A_186, %get3A_187] {strides = array<i32>} : memref<128x128xf32, #tpu.memory_space<vmem>>, vector<1x16xf32>,
          %get3A_189 = vector.shape_cast %get3A_188 : vector<1x16xf32> to vector<16xf32>
          %mul3A_190 = vector.broadcast %squeeze3A : f32 to vector<16xf32>
          %mul3A_191 = arith.mulf %mul3A_190, %get3A_189 : vector<16xf32>
          %add3A_192 = arith.addf %scan3A_114, %mul3A_191 : vector<16xf32>
          %mul3A_193 = arith.constant 16 : i32
          %mul3A_194 = arith.muli %scan3A_108, %mul3A_193 : i32
          %add3A_195 = arith.constant 0 : i32
          %add3A_196 = arith.addi %mul3A_194, %add3A_195 : i32
          %get3A_197 = arith.index_cast %add3A_196 : i32 to index
          %get3A_198 = arith.constant 96 : index
          %get3A_199 = tpu.vector_load %arg5[%get3A_197, %get3A_198] {strides = array<i32>} : memref<128x128xf32, #tpu.memory_space<vmem>>, vector<1x16xf32>,
          %get3A_200 = vector.shape_cast %get3A_199 : vector<1x16xf32> to vector<16xf32>
          %mul3A_201 = vector.broadcast %squeeze3A : f32 to vector<16xf32>
          %mul3A_202 = arith.mulf %mul3A_201, %get3A_200 : vector<16xf32>
          %add3A_203 = arith.addf %scan3A_115, %mul3A_202 : vector<16xf32>
          %mul3A_204 = arith.constant 16 : i32
          %mul3A_205 = arith.muli %scan3A_108, %mul3A_204 : i32
          %add3A_206 = arith.constant 0 : i32
          %add3A_207 = arith.addi %mul3A_205, %add3A_206 : i32
          %get3A_208 = arith.index_cast %add3A_207 : i32 to index
          %get3A_209 = arith.constant 112 : index
          %get3A_210 = tpu.vector_load %arg5[%get3A_208, %get3A_209] {strides = array<i32>} : memref<128x128xf32, #tpu.memory_space<vmem>>, vector<1x16xf32>,
          %get3A_211 = vector.shape_cast %get3A_210 : vector<1x16xf32> to vector<16xf32>
          %mul3A_212 = vector.broadcast %squeeze3A : f32 to vector<16xf32>
          %mul3A_213 = arith.mulf %mul3A_212, %get3A_211 : vector<16xf32>
          %add3A_214 = arith.addf %scan3A_116, %mul3A_213 : vector<16xf32>
          %slice3A_215 = vector.extract_strided_slice %convert_element_type3A {offsets = [1], sizes = [1], strides = [1]} : vector<16xf32> to vector<1xf32>
          %squeeze3A_216 = vector.extract %slice3A_215[0] : f32 from vector<1xf32>
          %mul3A_217 = arith.constant 16 : i32
          %mul3A_218 = arith.muli %scan3A_108, %mul3A_217 : i32
          %add3A_219 = arith.constant 1 : i32
          %add3A_220 = arith.addi %mul3A_218, %add3A_219 : i32
          %get3A_221 = arith.index_cast %add3A_220 : i32 to index
          %get3A_222 = arith.constant 0 : index
          %get3A_223 = tpu.vector_load %arg5[%get3A_221, %get3A_222] {strides = array<i32>} : memref<128x128xf32, #tpu.memory_space<vmem>>, vector<1x16xf32>,
          %get3A_224 = vector.shape_cast %get3A_223 : vector<1x16xf32> to vector<16xf32>
          %mul3A_225 = vector.broadcast %squeeze3A_216 : f32 to vector<16xf32>
          %mul3A_226 = arith.mulf %mul3A_225, %get3A_224 : vector<16xf32>
          %add3A_227 = arith.addf %add3A_137, %mul3A_226 : vector<16xf32>
          %mul3A_228 = arith.constant 16 : i32
          %mul3A_229 = arith.muli %scan3A_108, %mul3A_228 : i32
          %add3A_230 = arith.constant 1 : i32
          %add3A_231 = arith.addi %mul3A_229, %add3A_230 : i32
          %get3A_232 = arith.index_cast %add3A_231 : i32 to index
          %get3A_233 = arith.constant 16 : index
          %get3A_234 = tpu.vector_load %arg5[%get3A_232, %get3A_233] {strides = array<i32>} : memref<128x128xf32, #tpu.memory_space<vmem>>, vector<1x16xf32>,
          %get3A_235 = vector.shape_cast %get3A_234 : vector<1x16xf32> to vector<16xf32>
          %mul3A_236 = vector.broadcast %squeeze3A_216 : f32 to vector<16xf32>
          %mul3A_237 = arith.mulf %mul3A_236, %get3A_235 : vector<16xf32>
          %add3A_238 = arith.addf %add3A_148, %mul3A_237 : vector<16xf32>
          %mul3A_239 = arith.constant 16 : i32
          %mul3A_240 = arith.muli %scan3A_108, %mul3A_239 : i32
          %add3A_241 = arith.constant 1 : i32
          %add3A_242 = arith.addi %mul3A_240, %add3A_241 : i32
          %get3A_243 = arith.index_cast %add3A_242 : i32 to index
          %get3A_244 = arith.constant 32 : index
          %get3A_245 = tpu.vector_load %arg5[%get3A_243, %get3A_244] {strides = array<i32>} : memref<128x128xf32, #tpu.memory_space<vmem>>, vector<1x16xf32>,
          %get3A_246 = vector.shape_cast %get3A_245 : vector<1x16xf32> to vector<16xf32>
          %mul3A_247 = vector.broadcast %squeeze3A_216 : f32 to vector<16xf32>
          %mul3A_248 = arith.mulf %mul3A_247, %get3A_246 : vector<16xf32>
          %add3A_249 = arith.addf %add3A_159, %mul3A_248 : vector<16xf32>
          %mul3A_250 = arith.constant 16 : i32
          %mul3A_251 = arith.muli %scan3A_108, %mul3A_250 : i32
          %add3A_252 = arith.constant 1 : i32
          %add3A_253 = arith.addi %mul3A_251, %add3A_252 : i32
          %get3A_254 = arith.index_cast %add3A_253 : i32 to index
          %get3A_255 = arith.constant 48 : index
          %get3A_256 = tpu.vector_load %arg5[%get3A_254, %get3A_255] {strides = array<i32>} : memref<128x128xf32, #tpu.memory_space<vmem>>, vector<1x16xf32>,
          %get3A_257 = vector.shape_cast %get3A_256 : vector<1x16xf32> to vector<16xf32>
          %mul3A_258 = vector.broadcast %squeeze3A_216 : f32 to vector<16xf32>
          %mul3A_259 = arith.mulf %mul3A_258, %get3A_257 : vector<16xf32>
          %add3A_260 = arith.addf %add3A_170, %mul3A_259 : vector<16xf32>
          %mul3A_261 = arith.constant 16 : i32
          %mul3A_262 = arith.muli %scan3A_108, %mul3A_261 : i32
          %add3A_263 = arith.constant 1 : i32
          %add3A_264 = arith.addi %mul3A_262, %add3A_263 : i32
          %get3A_265 = arith.index_cast %add3A_264 : i32 to index
          %get3A_266 = arith.constant 64 : index
          %get3A_267 = tpu.vector_load %arg5[%get3A_265, %get3A_266] {strides = array<i32>} : memref<128x128xf32, #tpu.memory_space<vmem>>, vector<1x16xf32>,
          %get3A_268 = vector.shape_cast %get3A_267 : vector<1x16xf32> to vector<16xf32>
          %mul3A_269 = vector.broadcast %squeeze3A_216 : f32 to vector<16xf32>
          %mul3A_270 = arith.mulf %mul3A_269, %get3A_268 : vector<16xf32>
          %add3A_271 = arith.addf %add3A_181, %mul3A_270 : vector<16xf32>
          %mul3A_272 = arith.constant 16 : i32
          %mul3A_273 = arith.muli %scan3A_108, %mul3A_272 : i32
          %add3A_274 = arith.constant 1 : i32
          %add3A_275 = arith.addi %mul3A_273, %add3A_274 : i32
          %get3A_276 = arith.index_cast %add3A_275 : i32 to index
          %get3A_277 = arith.constant 80 : index
          %get3A_278 = tpu.vector_load %arg5[%get3A_276, %get3A_277] {strides = array<i32>} : memref<128x128xf32, #tpu.memory_space<vmem>>, vector<1x16xf32>,
          %get3A_279 = vector.shape_cast %get3A_278 : vector<1x16xf32> to vector<16xf32>
          %mul3A_280 = vector.broadcast %squeeze3A_216 : f32 to vector<16xf32>
          %mul3A_281 = arith.mulf %mul3A_280, %get3A_279 : vector<16xf32>
          %add3A_282 = arith.addf %add3A_192, %mul3A_281 : vector<16xf32>
          %mul3A_283 = arith.constant 16 : i32
          %mul3A_284 = arith.muli %scan3A_108, %mul3A_283 : i32
          %add3A_285 = arith.constant 1 : i32
          %add3A_286 = arith.addi %mul3A_284, %add3A_285 : i32
          %get3A_287 = arith.index_cast %add3A_286 : i32 to index
          %get3A_288 = arith.constant 96 : index
          %get3A_289 = tpu.vector_load %arg5[%get3A_287, %get3A_288] {strides = array<i32>} : memref<128x128xf32, #tpu.memory_space<vmem>>, vector<1x16xf32>,
          %get3A_290 = vector.shape_cast %get3A_289 : vector<1x16xf32> to vector<16xf32>
          %mul3A_291 = vector.broadcast %squeeze3A_216 : f32 to vector<16xf32>
          %mul3A_292 = arith.mulf %mul3A_291, %get3A_290 : vector<16xf32>
          %add3A_293 = arith.addf %add3A_203, %mul3A_292 : vector<16xf32>
          %mul3A_294 = arith.constant 16 : i32
          %mul3A_295 = arith.muli %scan3A_108, %mul3A_294 : i32
          %add3A_296 = arith.constant 1 : i32
          %add3A_297 = arith.addi %mul3A_295, %add3A_296 : i32
          %get3A_298 = arith.index_cast %add3A_297 : i32 to index
          %get3A_299 = arith.constant 112 : index
          %get3A_300 = tpu.vector_load %arg5[%get3A_298, %get3A_299] {strides = array<i32>} : memref<128x128xf32, #tpu.memory_space<vmem>>, vector<1x16xf32>,
          %get3A_301 = vector.shape_cast %get3A_300 : vector<1x16xf32> to vector<16xf32>
          %mul3A_302 = vector.broadcast %squeeze3A_216 : f32 to vector<16xf32>
          %mul3A_303 = arith.mulf %mul3A_302, %get3A_301 : vector<16xf32>
          %add3A_304 = arith.addf %add3A_214, %mul3A_303 : vector<16xf32>
          %slice3A_305 = vector.extract_strided_slice %convert_element_type3A {offsets = [2], sizes = [1], strides = [1]} : vector<16xf32> to vector<1xf32>
          %squeeze3A_306 = vector.extract %slice3A_305[0] : f32 from vector<1xf32>
          %mul3A_307 = arith.constant 16 : i32
          %mul3A_308 = arith.muli %scan3A_108, %mul3A_307 : i32
          %add3A_309 = arith.constant 2 : i32
          %add3A_310 = arith.addi %mul3A_308, %add3A_309 : i32
          %get3A_311 = arith.index_cast %add3A_310 : i32 to index
          %get3A_312 = arith.constant 0 : index
          %get3A_313 = tpu.vector_load %arg5[%get3A_311, %get3A_312] {strides = array<i32>} : memref<128x128xf32, #tpu.memory_space<vmem>>, vector<1x16xf32>,
          %get3A_314 = vector.shape_cast %get3A_313 : vector<1x16xf32> to vector<16xf32>
          %mul3A_315 = vector.broadcast %squeeze3A_306 : f32 to vector<16xf32>
          %mul3A_316 = arith.mulf %mul3A_315, %get3A_314 : vector<16xf32>
          %add3A_317 = arith.addf %add3A_227, %mul3A_316 : vector<16xf32>
          %mul3A_318 = arith.constant 16 : i32
          %mul3A_319 = arith.muli %scan3A_108, %mul3A_318 : i32
          %add3A_320 = arith.constant 2 : i32
          %add3A_321 = arith.addi %mul3A_319, %add3A_320 : i32
          %get3A_322 = arith.index_cast %add3A_321 : i32 to index
          %get3A_323 = arith.constant 16 : index
          %get3A_324 = tpu.vector_load %arg5[%get3A_322, %get3A_323] {strides = array<i32>} : memref<128x128xf32, #tpu.memory_space<vmem>>, vector<1x16xf32>,
          %get3A_325 = vector.shape_cast %get3A_324 : vector<1x16xf32> to vector<16xf32>
          %mul3A_326 = vector.broadcast %squeeze3A_306 : f32 to vector<16xf32>
          %mul3A_327 = arith.mulf %mul3A_326, %get3A_325 : vector<16xf32>
          %add3A_328 = arith.addf %add3A_238, %mul3A_327 : vector<16xf32>
          %mul3A_329 = arith.constant 16 : i32
          %mul3A_330 = arith.muli %scan3A_108, %mul3A_329 : i32
          %add3A_331 = arith.constant 2 : i32
          %add3A_332 = arith.addi %mul3A_330, %add3A_331 : i32
          %get3A_333 = arith.index_cast %add3A_332 : i32 to index
          %get3A_334 = arith.constant 32 : index
          %get3A_335 = tpu.vector_load %arg5[%get3A_333, %get3A_334] {strides = array<i32>} : memref<128x128xf32, #tpu.memory_space<vmem>>, vector<1x16xf32>,
          %get3A_336 = vector.shape_cast %get3A_335 : vector<1x16xf32> to vector<16xf32>
          %mul3A_337 = vector.broadcast %squeeze3A_306 : f32 to vector<16xf32>
          %mul3A_338 = arith.mulf %mul3A_337, %get3A_336 : vector<16xf32>
          %add3A_339 = arith.addf %add3A_249, %mul3A_338 : vector<16xf32>
          %mul3A_340 = arith.constant 16 : i32
          %mul3A_341 = arith.muli %scan3A_108, %mul3A_340 : i32
          %add3A_342 = arith.constant 2 : i32
          %add3A_343 = arith.addi %mul3A_341, %add3A_342 : i32
          %get3A_344 = arith.index_cast %add3A_343 : i32 to index
          %get3A_345 = arith.constant 48 : index
          %get3A_346 = tpu.vector_load %arg5[%get3A_344, %get3A_345] {strides = array<i32>} : memref<128x128xf32, #tpu.memory_space<vmem>>, vector<1x16xf32>,
          %get3A_347 = vector.shape_cast %get3A_346 : vector<1x16xf32> to vector<16xf32>
          %mul3A_348 = vector.broadcast %squeeze3A_306 : f32 to vector<16xf32>
          %mul3A_349 = arith.mulf %mul3A_348, %get3A_347 : vector<16xf32>
          %add3A_350 = arith.addf %add3A_260, %mul3A_349 : vector<16xf32>
          %mul3A_351 = arith.constant 16 : i32
          %mul3A_352 = arith.muli %scan3A_108, %mul3A_351 : i32
          %add3A_353 = arith.constant 2 : i32
          %add3A_354 = arith.addi %mul3A_352, %add3A_353 : i32
          %get3A_355 = arith.index_cast %add3A_354 : i32 to index
          %get3A_356 = arith.constant 64 : index
          %get3A_357 = tpu.vector_load %arg5[%get3A_355, %get3A_356] {strides = array<i32>} : memref<128x128xf32, #tpu.memory_space<vmem>>, vector<1x16xf32>,
          %get3A_358 = vector.shape_cast %get3A_357 : vector<1x16xf32> to vector<16xf32>
          %mul3A_359 = vector.broadcast %squeeze3A_306 : f32 to vector<16xf32>
          %mul3A_360 = arith.mulf %mul3A_359, %get3A_358 : vector<16xf32>
          %add3A_361 = arith.addf %add3A_271, %mul3A_360 : vector<16xf32>
          %mul3A_362 = arith.constant 16 : i32
          %mul3A_363 = arith.muli %scan3A_108, %mul3A_362 : i32
          %add3A_364 = arith.constant 2 : i32
          %add3A_365 = arith.addi %mul3A_363, %add3A_364 : i32
          %get3A_366 = arith.index_cast %add3A_365 : i32 to index
          %get3A_367 = arith.constant 80 : index
          %get3A_368 = tpu.vector_load %arg5[%get3A_366, %get3A_367] {strides = array<i32>} : memref<128x128xf32, #tpu.memory_space<vmem>>, vector<1x16xf32>,
          %get3A_369 = vector.shape_cast %get3A_368 : vector<1x16xf32> to vector<16xf32>
          %mul3A_370 = vector.broadcast %squeeze3A_306 : f32 to vector<16xf32>
          %mul3A_371 = arith.mulf %mul3A_370, %get3A_369 : vector<16xf32>
          %add3A_372 = arith.addf %add3A_282, %mul3A_371 : vector<16xf32>
          %mul3A_373 = arith.constant 16 : i32
          %mul3A_374 = arith.muli %scan3A_108, %mul3A_373 : i32
          %add3A_375 = arith.constant 2 : i32
          %add3A_376 = arith.addi %mul3A_374, %add3A_375 : i32
          %get3A_377 = arith.index_cast %add3A_376 : i32 to index
          %get3A_378 = arith.constant 96 : index
          %get3A_379 = tpu.vector_load %arg5[%get3A_377, %get3A_378] {strides = array<i32>} : memref<128x128xf32, #tpu.memory_space<vmem>>, vector<1x16xf32>,
          %get3A_380 = vector.shape_cast %get3A_379 : vector<1x16xf32> to vector<16xf32>
          %mul3A_381 = vector.broadcast %squeeze3A_306 : f32 to vector<16xf32>
          %mul3A_382 = arith.mulf %mul3A_381, %get3A_380 : vector<16xf32>
          %add3A_383 = arith.addf %add3A_293, %mul3A_382 : vector<16xf32>
          %mul3A_384 = arith.constant 16 : i32
          %mul3A_385 = arith.muli %scan3A_108, %mul3A_384 : i32
          %add3A_386 = arith.constant 2 : i32
          %add3A_387 = arith.addi %mul3A_385, %add3A_386 : i32
          %get3A_388 = arith.index_cast %add3A_387 : i32 to index
          %get3A_389 = arith.constant 112 : index
          %get3A_390 = tpu.vector_load %arg5[%get3A_388, %get3A_389] {strides = array<i32>} : memref<128x128xf32, #tpu.memory_space<vmem>>, vector<1x16xf32>,
          %get3A_391 = vector.shape_cast %get3A_390 : vector<1x16xf32> to vector<16xf32>
          %mul3A_392 = vector.broadcast %squeeze3A_306 : f32 to vector<16xf32>
          %mul3A_393 = arith.mulf %mul3A_392, %get3A_391 : vector<16xf32>
          %add3A_394 = arith.addf %add3A_304, %mul3A_393 : vector<16xf32>
          %slice3A_395 = vector.extract_strided_slice %convert_element_type3A {offsets = [3], sizes = [1], strides = [1]} : vector<16xf32> to vector<1xf32>
          %squeeze3A_396 = vector.extract %slice3A_395[0] : f32 from vector<1xf32>
          %mul3A_397 = arith.constant 16 : i32
          %mul3A_398 = arith.muli %scan3A_108, %mul3A_397 : i32
          %add3A_399 = arith.constant 3 : i32
          %add3A_400 = arith.addi %mul3A_398, %add3A_399 : i32
          %get3A_401 = arith.index_cast %add3A_400 : i32 to index
          %get3A_402 = arith.constant 0 : index
          %get3A_403 = tpu.vector_load %arg5[%get3A_401, %get3A_402] {strides = array<i32>} : memref<128x128xf32, #tpu.memory_space<vmem>>, vector<1x16xf32>,
          %get3A_404 = vector.shape_cast %get3A_403 : vector<1x16xf32> to vector<16xf32>
          %mul3A_405 = vector.broadcast %squeeze3A_396 : f32 to vector<16xf32>
          %mul3A_406 = arith.mulf %mul3A_405, %get3A_404 : vector<16xf32>
          %add3A_407 = arith.addf %add3A_317, %mul3A_406 : vector<16xf32>
          %mul3A_408 = arith.constant 16 : i32
          %mul3A_409 = arith.muli %scan3A_108, %mul3A_408 : i32
          %add3A_410 = arith.constant 3 : i32
          %add3A_411 = arith.addi %mul3A_409, %add3A_410 : i32
          %get3A_412 = arith.index_cast %add3A_411 : i32 to index
          %get3A_413 = arith.constant 16 : index
          %get3A_414 = tpu.vector_load %arg5[%get3A_412, %get3A_413] {strides = array<i32>} : memref<128x128xf32, #tpu.memory_space<vmem>>, vector<1x16xf32>,
          %get3A_415 = vector.shape_cast %get3A_414 : vector<1x16xf32> to vector<16xf32>
          %mul3A_416 = vector.broadcast %squeeze3A_396 : f32 to vector<16xf32>
          %mul3A_417 = arith.mulf %mul3A_416, %get3A_415 : vector<16xf32>
          %add3A_418 = arith.addf %add3A_328, %mul3A_417 : vector<16xf32>
          %mul3A_419 = arith.constant 16 : i32
          %mul3A_420 = arith.muli %scan3A_108, %mul3A_419 : i32
          %add3A_421 = arith.constant 3 : i32
          %add3A_422 = arith.addi %mul3A_420, %add3A_421 : i32
          %get3A_423 = arith.index_cast %add3A_422 : i32 to index
          %get3A_424 = arith.constant 32 : index
          %get3A_425 = tpu.vector_load %arg5[%get3A_423, %get3A_424] {strides = array<i32>} : memref<128x128xf32, #tpu.memory_space<vmem>>, vector<1x16xf32>,
          %get3A_426 = vector.shape_cast %get3A_425 : vector<1x16xf32> to vector<16xf32>
          %mul3A_427 = vector.broadcast %squeeze3A_396 : f32 to vector<16xf32>
          %mul3A_428 = arith.mulf %mul3A_427, %get3A_426 : vector<16xf32>
          %add3A_429 = arith.addf %add3A_339, %mul3A_428 : vector<16xf32>
          %mul3A_430 = arith.constant 16 : i32
          %mul3A_431 = arith.muli %scan3A_108, %mul3A_430 : i32
          %add3A_432 = arith.constant 3 : i32
          %add3A_433 = arith.addi %mul3A_431, %add3A_432 : i32
          %get3A_434 = arith.index_cast %add3A_433 : i32 to index
          %get3A_435 = arith.constant 48 : index
          %get3A_436 = tpu.vector_load %arg5[%get3A_434, %get3A_435] {strides = array<i32>} : memref<128x128xf32, #tpu.memory_space<vmem>>, vector<1x16xf32>,
          %get3A_437 = vector.shape_cast %get3A_436 : vector<1x16xf32> to vector<16xf32>
          %mul3A_438 = vector.broadcast %squeeze3A_396 : f32 to vector<16xf32>
          %mul3A_439 = arith.mulf %mul3A_438, %get3A_437 : vector<16xf32>
          %add3A_440 = arith.addf %add3A_350, %mul3A_439 : vector<16xf32>
          %mul3A_441 = arith.constant 16 : i32
          %mul3A_442 = arith.muli %scan3A_108, %mul3A_441 : i32
          %add3A_443 = arith.constant 3 : i32
          %add3A_444 = arith.addi %mul3A_442, %add3A_443 : i32
          %get3A_445 = arith.index_cast %add3A_444 : i32 to index
          %get3A_446 = arith.constant 64 : index
          %get3A_447 = tpu.vector_load %arg5[%get3A_445, %get3A_446] {strides = array<i32>} : memref<128x128xf32, #tpu.memory_space<vmem>>, vector<1x16xf32>,
          %get3A_448 = vector.shape_cast %get3A_447 : vector<1x16xf32> to vector<16xf32>
          %mul3A_449 = vector.broadcast %squeeze3A_396 : f32 to vector<16xf32>
          %mul3A_450 = arith.mulf %mul3A_449, %get3A_448 : vector<16xf32>
          %add3A_451 = arith.addf %add3A_361, %mul3A_450 : vector<16xf32>
          %mul3A_452 = arith.constant 16 : i32
          %mul3A_453 = arith.muli %scan3A_108, %mul3A_452 : i32
          %add3A_454 = arith.constant 3 : i32
          %add3A_455 = arith.addi %mul3A_453, %add3A_454 : i32
          %get3A_456 = arith.index_cast %add3A_455 : i32 to index
          %get3A_457 = arith.constant 80 : index
          %get3A_458 = tpu.vector_load %arg5[%get3A_456, %get3A_457] {strides = array<i32>} : memref<128x128xf32, #tpu.memory_space<vmem>>, vector<1x16xf32>,
          %get3A_459 = vector.shape_cast %get3A_458 : vector<1x16xf32> to vector<16xf32>
          %mul3A_460 = vector.broadcast %squeeze3A_396 : f32 to vector<16xf32>
          %mul3A_461 = arith.mulf %mul3A_460, %get3A_459 : vector<16xf32>
          %add3A_462 = arith.addf %add3A_372, %mul3A_461 : vector<16xf32>
          %mul3A_463 = arith.constant 16 : i32
          %mul3A_464 = arith.muli %scan3A_108, %mul3A_463 : i32
          %add3A_465 = arith.constant 3 : i32
          %add3A_466 = arith.addi %mul3A_464, %add3A_465 : i32
          %get3A_467 = arith.index_cast %add3A_466 : i32 to index
          %get3A_468 = arith.constant 96 : index
          %get3A_469 = tpu.vector_load %arg5[%get3A_467, %get3A_468] {strides = array<i32>} : memref<128x128xf32, #tpu.memory_space<vmem>>, vector<1x16xf32>,
          %get3A_470 = vector.shape_cast %get3A_469 : vector<1x16xf32> to vector<16xf32>
          %mul3A_471 = vector.broadcast %squeeze3A_396 : f32 to vector<16xf32>
          %mul3A_472 = arith.mulf %mul3A_471, %get3A_470 : vector<16xf32>
          %add3A_473 = arith.addf %add3A_383, %mul3A_472 : vector<16xf32>
          %mul3A_474 = arith.constant 16 : i32
          %mul3A_475 = arith.muli %scan3A_108, %mul3A_474 : i32
          %add3A_476 = arith.constant 3 : i32
          %add3A_477 = arith.addi %mul3A_475, %add3A_476 : i32
          %get3A_478 = arith.index_cast %add3A_477 : i32 to index
          %get3A_479 = arith.constant 112 : index
          %get3A_480 = tpu.vector_load %arg5[%get3A_478, %get3A_479] {strides = array<i32>} : memref<128x128xf32, #tpu.memory_space<vmem>>, vector<1x16xf32>,
          %get3A_481 = vector.shape_cast %get3A_480 : vector<1x16xf32> to vector<16xf32>
          %mul3A_482 = vector.broadcast %squeeze3A_396 : f32 to vector<16xf32>
          %mul3A_483 = arith.mulf %mul3A_482, %get3A_481 : vector<16xf32>
          %add3A_484 = arith.addf %add3A_394, %mul3A_483 : vector<16xf32>
          %slice3A_485 = vector.extract_strided_slice %convert_element_type3A {offsets = [4], sizes = [1], strides = [1]} : vector<16xf32> to vector<1xf32>
          %squeeze3A_486 = vector.extract %slice3A_485[0] : f32 from vector<1xf32>
          %mul3A_487 = arith.constant 16 : i32
          %mul3A_488 = arith.muli %scan3A_108, %mul3A_487 : i32
          %add3A_489 = arith.constant 4 : i32
          %add3A_490 = arith.addi %mul3A_488, %add3A_489 : i32
          %get3A_491 = arith.index_cast %add3A_490 : i32 to index
          %get3A_492 = arith.constant 0 : index
          %get3A_493 = tpu.vector_load %arg5[%get3A_491, %get3A_492] {strides = array<i32>} : memref<128x128xf32, #tpu.memory_space<vmem>>, vector<1x16xf32>,
          %get3A_494 = vector.shape_cast %get3A_493 : vector<1x16xf32> to vector<16xf32>
          %mul3A_495 = vector.broadcast %squeeze3A_486 : f32 to vector<16xf32>
          %mul3A_496 = arith.mulf %mul3A_495, %get3A_494 : vector<16xf32>
          %add3A_497 = arith.addf %add3A_407, %mul3A_496 : vector<16xf32>
          %mul3A_498 = arith.constant 16 : i32
          %mul3A_499 = arith.muli %scan3A_108, %mul3A_498 : i32
          %add3A_500 = arith.constant 4 : i32
          %add3A_501 = arith.addi %mul3A_499, %add3A_500 : i32
          %get3A_502 = arith.index_cast %add3A_501 : i32 to index
          %get3A_503 = arith.constant 16 : index
          %get3A_504 = tpu.vector_load %arg5[%get3A_502, %get3A_503] {strides = array<i32>} : memref<128x128xf32, #tpu.memory_space<vmem>>, vector<1x16xf32>,
          %get3A_505 = vector.shape_cast %get3A_504 : vector<1x16xf32> to vector<16xf32>
          %mul3A_506 = vector.broadcast %squeeze3A_486 : f32 to vector<16xf32>
          %mul3A_507 = arith.mulf %mul3A_506, %get3A_505 : vector<16xf32>
          %add3A_508 = arith.addf %add3A_418, %mul3A_507 : vector<16xf32>
          %mul3A_509 = arith.constant 16 : i32
          %mul3A_510 = arith.muli %scan3A_108, %mul3A_509 : i32
          %add3A_511 = arith.constant 4 : i32
          %add3A_512 = arith.addi %mul3A_510, %add3A_511 : i32
          %get3A_513 = arith.index_cast %add3A_512 : i32 to index
          %get3A_514 = arith.constant 32 : index
          %get3A_515 = tpu.vector_load %arg5[%get3A_513, %get3A_514] {strides = array<i32>} : memref<128x128xf32, #tpu.memory_space<vmem>>, vector<1x16xf32>,
          %get3A_516 = vector.shape_cast %get3A_515 : vector<1x16xf32> to vector<16xf32>
          %mul3A_517 = vector.broadcast %squeeze3A_486 : f32 to vector<16xf32>
          %mul3A_518 = arith.mulf %mul3A_517, %get3A_516 : vector<16xf32>
          %add3A_519 = arith.addf %add3A_429, %mul3A_518 : vector<16xf32>
          %mul3A_520 = arith.constant 16 : i32
          %mul3A_521 = arith.muli %scan3A_108, %mul3A_520 : i32
          %add3A_522 = arith.constant 4 : i32
          %add3A_523 = arith.addi %mul3A_521, %add3A_522 : i32
          %get3A_524 = arith.index_cast %add3A_523 : i32 to index
          %get3A_525 = arith.constant 48 : index
          %get3A_526 = tpu.vector_load %arg5[%get3A_524, %get3A_525] {strides = array<i32>} : memref<128x128xf32, #tpu.memory_space<vmem>>, vector<1x16xf32>,
          %get3A_527 = vector.shape_cast %get3A_526 : vector<1x16xf32> to vector<16xf32>
          %mul3A_528 = vector.broadcast %squeeze3A_486 : f32 to vector<16xf32>
          %mul3A_529 = arith.mulf %mul3A_528, %get3A_527 : vector<16xf32>
          %add3A_530 = arith.addf %add3A_440, %mul3A_529 : vector<16xf32>
          %mul3A_531 = arith.constant 16 : i32
          %mul3A_532 = arith.muli %scan3A_108, %mul3A_531 : i32
          %add3A_533 = arith.constant 4 : i32
          %add3A_534 = arith.addi %mul3A_532, %add3A_533 : i32
          %get3A_535 = arith.index_cast %add3A_534 : i32 to index
          %get3A_536 = arith.constant 64 : index
          %get3A_537 = tpu.vector_load %arg5[%get3A_535, %get3A_536] {strides = array<i32>} : memref<128x128xf32, #tpu.memory_space<vmem>>, vector<1x16xf32>,
          %get3A_538 = vector.shape_cast %get3A_537 : vector<1x16xf32> to vector<16xf32>
          %mul3A_539 = vector.broadcast %squeeze3A_486 : f32 to vector<16xf32>
          %mul3A_540 = arith.mulf %mul3A_539, %get3A_538 : vector<16xf32>
          %add3A_541 = arith.addf %add3A_451, %mul3A_540 : vector<16xf32>
          %mul3A_542 = arith.constant 16 : i32
          %mul3A_543 = arith.muli %scan3A_108, %mul3A_542 : i32
          %add3A_544 = arith.constant 4 : i32
          %add3A_545 = arith.addi %mul3A_543, %add3A_544 : i32
          %get3A_546 = arith.index_cast %add3A_545 : i32 to index
          %get3A_547 = arith.constant 80 : index
          %get3A_548 = tpu.vector_load %arg5[%get3A_546, %get3A_547] {strides = array<i32>} : memref<128x128xf32, #tpu.memory_space<vmem>>, vector<1x16xf32>,
          %get3A_549 = vector.shape_cast %get3A_548 : vector<1x16xf32> to vector<16xf32>
          %mul3A_550 = vector.broadcast %squeeze3A_486 : f32 to vector<16xf32>
          %mul3A_551 = arith.mulf %mul3A_550, %get3A_549 : vector<16xf32>
          %add3A_552 = arith.addf %add3A_462, %mul3A_551 : vector<16xf32>
          %mul3A_553 = arith.constant 16 : i32
          %mul3A_554 = arith.muli %scan3A_108, %mul3A_553 : i32
          %add3A_555 = arith.constant 4 : i32
          %add3A_556 = arith.addi %mul3A_554, %add3A_555 : i32
          %get3A_557 = arith.index_cast %add3A_556 : i32 to index
          %get3A_558 = arith.constant 96 : index
          %get3A_559 = tpu.vector_load %arg5[%get3A_557, %get3A_558] {strides = array<i32>} : memref<128x128xf32, #tpu.memory_space<vmem>>, vector<1x16xf32>,
          %get3A_560 = vector.shape_cast %get3A_559 : vector<1x16xf32> to vector<16xf32>
          %mul3A_561 = vector.broadcast %squeeze3A_486 : f32 to vector<16xf32>
          %mul3A_562 = arith.mulf %mul3A_561, %get3A_560 : vector<16xf32>
          %add3A_563 = arith.addf %add3A_473, %mul3A_562 : vector<16xf32>
          %mul3A_564 = arith.constant 16 : i32
          %mul3A_565 = arith.muli %scan3A_108, %mul3A_564 : i32
          %add3A_566 = arith.constant 4 : i32
          %add3A_567 = arith.addi %mul3A_565, %add3A_566 : i32
          %get3A_568 = arith.index_cast %add3A_567 : i32 to index
          %get3A_569 = arith.constant 112 : index
          %get3A_570 = tpu.vector_load %arg5[%get3A_568, %get3A_569] {strides = array<i32>} : memref<128x128xf32, #tpu.memory_space<vmem>>, vector<1x16xf32>,
          %get3A_571 = vector.shape_cast %get3A_570 : vector<1x16xf32> to vector<16xf32>
          %mul3A_572 = vector.broadcast %squeeze3A_486 : f32 to vector<16xf32>
          %mul3A_573 = arith.mulf %mul3A_572, %get3A_571 : vector<16xf32>
          %add3A_574 = arith.addf %add3A_484, %mul3A_573 : vector<16xf32>
          %slice3A_575 = vector.extract_strided_slice %convert_element_type3A {offsets = [5], sizes = [1], strides = [1]} : vector<16xf32> to vector<1xf32>
          %squeeze3A_576 = vector.extract %slice3A_575[0] : f32 from vector<1xf32>
          %mul3A_577 = arith.constant 16 : i32
          %mul3A_578 = arith.muli %scan3A_108, %mul3A_577 : i32
          %add3A_579 = arith.constant 5 : i32
          %add3A_580 = arith.addi %mul3A_578, %add3A_579 : i32
          %get3A_581 = arith.index_cast %add3A_580 : i32 to index
          %get3A_582 = arith.constant 0 : index
          %get3A_583 = tpu.vector_load %arg5[%get3A_581, %get3A_582] {strides = array<i32>} : memref<128x128xf32, #tpu.memory_space<vmem>>, vector<1x16xf32>,
          %get3A_584 = vector.shape_cast %get3A_583 : vector<1x16xf32> to vector<16xf32>
          %mul3A_585 = vector.broadcast %squeeze3A_576 : f32 to vector<16xf32>
          %mul3A_586 = arith.mulf %mul3A_585, %get3A_584 : vector<16xf32>
          %add3A_587 = arith.addf %add3A_497, %mul3A_586 : vector<16xf32>
          %mul3A_588 = arith.constant 16 : i32
          %mul3A_589 = arith.muli %scan3A_108, %mul3A_588 : i32
          %add3A_590 = arith.constant 5 : i32
          %add3A_591 = arith.addi %mul3A_589, %add3A_590 : i32
          %get3A_592 = arith.index_cast %add3A_591 : i32 to index
          %get3A_593 = arith.constant 16 : index
          %get3A_594 = tpu.vector_load %arg5[%get3A_592, %get3A_593] {strides = array<i32>} : memref<128x128xf32, #tpu.memory_space<vmem>>, vector<1x16xf32>,
          %get3A_595 = vector.shape_cast %get3A_594 : vector<1x16xf32> to vector<16xf32>
          %mul3A_596 = vector.broadcast %squeeze3A_576 : f32 to vector<16xf32>
          %mul3A_597 = arith.mulf %mul3A_596, %get3A_595 : vector<16xf32>
          %add3A_598 = arith.addf %add3A_508, %mul3A_597 : vector<16xf32>
          %mul3A_599 = arith.constant 16 : i32
          %mul3A_600 = arith.muli %scan3A_108, %mul3A_599 : i32
          %add3A_601 = arith.constant 5 : i32
          %add3A_602 = arith.addi %mul3A_600, %add3A_601 : i32
          %get3A_603 = arith.index_cast %add3A_602 : i32 to index
          %get3A_604 = arith.constant 32 : index
          %get3A_605 = tpu.vector_load %arg5[%get3A_603, %get3A_604] {strides = array<i32>} : memref<128x128xf32, #tpu.memory_space<vmem>>, vector<1x16xf32>,
          %get3A_606 = vector.shape_cast %get3A_605 : vector<1x16xf32> to vector<16xf32>
          %mul3A_607 = vector.broadcast %squeeze3A_576 : f32 to vector<16xf32>
          %mul3A_608 = arith.mulf %mul3A_607, %get3A_606 : vector<16xf32>
          %add3A_609 = arith.addf %add3A_519, %mul3A_608 : vector<16xf32>
          %mul3A_610 = arith.constant 16 : i32
          %mul3A_611 = arith.muli %scan3A_108, %mul3A_610 : i32
          %add3A_612 = arith.constant 5 : i32
          %add3A_613 = arith.addi %mul3A_611, %add3A_612 : i32
          %get3A_614 = arith.index_cast %add3A_613 : i32 to index
          %get3A_615 = arith.constant 48 : index
          %get3A_616 = tpu.vector_load %arg5[%get3A_614, %get3A_615] {strides = array<i32>} : memref<128x128xf32, #tpu.memory_space<vmem>>, vector<1x16xf32>,
          %get3A_617 = vector.shape_cast %get3A_616 : vector<1x16xf32> to vector<16xf32>
          %mul3A_618 = vector.broadcast %squeeze3A_576 : f32 to vector<16xf32>
          %mul3A_619 = arith.mulf %mul3A_618, %get3A_617 : vector<16xf32>
          %add3A_620 = arith.addf %add3A_530, %mul3A_619 : vector<16xf32>
          %mul3A_621 = arith.constant 16 : i32
          %mul3A_622 = arith.muli %scan3A_108, %mul3A_621 : i32
          %add3A_623 = arith.constant 5 : i32
          %add3A_624 = arith.addi %mul3A_622, %add3A_623 : i32
          %get3A_625 = arith.index_cast %add3A_624 : i32 to index
          %get3A_626 = arith.constant 64 : index
          %get3A_627 = tpu.vector_load %arg5[%get3A_625, %get3A_626] {strides = array<i32>} : memref<128x128xf32, #tpu.memory_space<vmem>>, vector<1x16xf32>,
          %get3A_628 = vector.shape_cast %get3A_627 : vector<1x16xf32> to vector<16xf32>
          %mul3A_629 = vector.broadcast %squeeze3A_576 : f32 to vector<16xf32>
          %mul3A_630 = arith.mulf %mul3A_629, %get3A_628 : vector<16xf32>
          %add3A_631 = arith.addf %add3A_541, %mul3A_630 : vector<16xf32>
          %mul3A_632 = arith.constant 16 : i32
          %mul3A_633 = arith.muli %scan3A_108, %mul3A_632 : i32
          %add3A_634 = arith.constant 5 : i32
          %add3A_635 = arith.addi %mul3A_633, %add3A_634 : i32
          %get3A_636 = arith.index_cast %add3A_635 : i32 to index
          %get3A_637 = arith.constant 80 : index
          %get3A_638 = tpu.vector_load %arg5[%get3A_636, %get3A_637] {strides = array<i32>} : memref<128x128xf32, #tpu.memory_space<vmem>>, vector<1x16xf32>,
          %get3A_639 = vector.shape_cast %get3A_638 : vector<1x16xf32> to vector<16xf32>
          %mul3A_640 = vector.broadcast %squeeze3A_576 : f32 to vector<16xf32>
          %mul3A_641 = arith.mulf %mul3A_640, %get3A_639 : vector<16xf32>
          %add3A_642 = arith.addf %add3A_552, %mul3A_641 : vector<16xf32>
          %mul3A_643 = arith.constant 16 : i32
          %mul3A_644 = arith.muli %scan3A_108, %mul3A_643 : i32
          %add3A_645 = arith.constant 5 : i32
          %add3A_646 = arith.addi %mul3A_644, %add3A_645 : i32
          %get3A_647 = arith.index_cast %add3A_646 : i32 to index
          %get3A_648 = arith.constant 96 : index
          %get3A_649 = tpu.vector_load %arg5[%get3A_647, %get3A_648] {strides = array<i32>} : memref<128x128xf32, #tpu.memory_space<vmem>>, vector<1x16xf32>,
          %get3A_650 = vector.shape_cast %get3A_649 : vector<1x16xf32> to vector<16xf32>
          %mul3A_651 = vector.broadcast %squeeze3A_576 : f32 to vector<16xf32>
          %mul3A_652 = arith.mulf %mul3A_651, %get3A_650 : vector<16xf32>
          %add3A_653 = arith.addf %add3A_563, %mul3A_652 : vector<16xf32>
          %mul3A_654 = arith.constant 16 : i32
          %mul3A_655 = arith.muli %scan3A_108, %mul3A_654 : i32
          %add3A_656 = arith.constant 5 : i32
          %add3A_657 = arith.addi %mul3A_655, %add3A_656 : i32
          %get3A_658 = arith.index_cast %add3A_657 : i32 to index
          %get3A_659 = arith.constant 112 : index
          %get3A_660 = tpu.vector_load %arg5[%get3A_658, %get3A_659] {strides = array<i32>} : memref<128x128xf32, #tpu.memory_space<vmem>>, vector<1x16xf32>,
          %get3A_661 = vector.shape_cast %get3A_660 : vector<1x16xf32> to vector<16xf32>
          %mul3A_662 = vector.broadcast %squeeze3A_576 : f32 to vector<16xf32>
          %mul3A_663 = arith.mulf %mul3A_662, %get3A_661 : vector<16xf32>
          %add3A_664 = arith.addf %add3A_574, %mul3A_663 : vector<16xf32>
          %slice3A_665 = vector.extract_strided_slice %convert_element_type3A {offsets = [6], sizes = [1], strides = [1]} : vector<16xf32> to vector<1xf32>
          %squeeze3A_666 = vector.extract %slice3A_665[0] : f32 from vector<1xf32>
          %mul3A_667 = arith.constant 16 : i32
          %mul3A_668 = arith.muli %scan3A_108, %mul3A_667 : i32
          %add3A_669 = arith.constant 6 : i32
          %add3A_670 = arith.addi %mul3A_668, %add3A_669 : i32
          %get3A_671 = arith.index_cast %add3A_670 : i32 to index
          %get3A_672 = arith.constant 0 : index
          %get3A_673 = tpu.vector_load %arg5[%get3A_671, %get3A_672] {strides = array<i32>} : memref<128x128xf32, #tpu.memory_space<vmem>>, vector<1x16xf32>,
          %get3A_674 = vector.shape_cast %get3A_673 : vector<1x16xf32> to vector<16xf32>
          %mul3A_675 = vector.broadcast %squeeze3A_666 : f32 to vector<16xf32>
          %mul3A_676 = arith.mulf %mul3A_675, %get3A_674 : vector<16xf32>
          %add3A_677 = arith.addf %add3A_587, %mul3A_676 : vector<16xf32>
          %mul3A_678 = arith.constant 16 : i32
          %mul3A_679 = arith.muli %scan3A_108, %mul3A_678 : i32
          %add3A_680 = arith.constant 6 : i32
          %add3A_681 = arith.addi %mul3A_679, %add3A_680 : i32
          %get3A_682 = arith.index_cast %add3A_681 : i32 to index
          %get3A_683 = arith.constant 16 : index
          %get3A_684 = tpu.vector_load %arg5[%get3A_682, %get3A_683] {strides = array<i32>} : memref<128x128xf32, #tpu.memory_space<vmem>>, vector<1x16xf32>,
          %get3A_685 = vector.shape_cast %get3A_684 : vector<1x16xf32> to vector<16xf32>
          %mul3A_686 = vector.broadcast %squeeze3A_666 : f32 to vector<16xf32>
          %mul3A_687 = arith.mulf %mul3A_686, %get3A_685 : vector<16xf32>
          %add3A_688 = arith.addf %add3A_598, %mul3A_687 : vector<16xf32>
          %mul3A_689 = arith.constant 16 : i32
          %mul3A_690 = arith.muli %scan3A_108, %mul3A_689 : i32
          %add3A_691 = arith.constant 6 : i32
          %add3A_692 = arith.addi %mul3A_690, %add3A_691 : i32
          %get3A_693 = arith.index_cast %add3A_692 : i32 to index
          %get3A_694 = arith.constant 32 : index
          %get3A_695 = tpu.vector_load %arg5[%get3A_693, %get3A_694] {strides = array<i32>} : memref<128x128xf32, #tpu.memory_space<vmem>>, vector<1x16xf32>,
          %get3A_696 = vector.shape_cast %get3A_695 : vector<1x16xf32> to vector<16xf32>
          %mul3A_697 = vector.broadcast %squeeze3A_666 : f32 to vector<16xf32>
          %mul3A_698 = arith.mulf %mul3A_697, %get3A_696 : vector<16xf32>
          %add3A_699 = arith.addf %add3A_609, %mul3A_698 : vector<16xf32>
          %mul3A_700 = arith.constant 16 : i32
          %mul3A_701 = arith.muli %scan3A_108, %mul3A_700 : i32
          %add3A_702 = arith.constant 6 : i32
          %add3A_703 = arith.addi %mul3A_701, %add3A_702 : i32
          %get3A_704 = arith.index_cast %add3A_703 : i32 to index
          %get3A_705 = arith.constant 48 : index
          %get3A_706 = tpu.vector_load %arg5[%get3A_704, %get3A_705] {strides = array<i32>} : memref<128x128xf32, #tpu.memory_space<vmem>>, vector<1x16xf32>,
          %get3A_707 = vector.shape_cast %get3A_706 : vector<1x16xf32> to vector<16xf32>
          %mul3A_708 = vector.broadcast %squeeze3A_666 : f32 to vector<16xf32>
          %mul3A_709 = arith.mulf %mul3A_708, %get3A_707 : vector<16xf32>
          %add3A_710 = arith.addf %add3A_620, %mul3A_709 : vector<16xf32>
          %mul3A_711 = arith.constant 16 : i32
          %mul3A_712 = arith.muli %scan3A_108, %mul3A_711 : i32
          %add3A_713 = arith.constant 6 : i32
          %add3A_714 = arith.addi %mul3A_712, %add3A_713 : i32
          %get3A_715 = arith.index_cast %add3A_714 : i32 to index
          %get3A_716 = arith.constant 64 : index
          %get3A_717 = tpu.vector_load %arg5[%get3A_715, %get3A_716] {strides = array<i32>} : memref<128x128xf32, #tpu.memory_space<vmem>>, vector<1x16xf32>,
          %get3A_718 = vector.shape_cast %get3A_717 : vector<1x16xf32> to vector<16xf32>
          %mul3A_719 = vector.broadcast %squeeze3A_666 : f32 to vector<16xf32>
          %mul3A_720 = arith.mulf %mul3A_719, %get3A_718 : vector<16xf32>
          %add3A_721 = arith.addf %add3A_631, %mul3A_720 : vector<16xf32>
          %mul3A_722 = arith.constant 16 : i32
          %mul3A_723 = arith.muli %scan3A_108, %mul3A_722 : i32
          %add3A_724 = arith.constant 6 : i32
          %add3A_725 = arith.addi %mul3A_723, %add3A_724 : i32
          %get3A_726 = arith.index_cast %add3A_725 : i32 to index
          %get3A_727 = arith.constant 80 : index
          %get3A_728 = tpu.vector_load %arg5[%get3A_726, %get3A_727] {strides = array<i32>} : memref<128x128xf32, #tpu.memory_space<vmem>>, vector<1x16xf32>,
          %get3A_729 = vector.shape_cast %get3A_728 : vector<1x16xf32> to vector<16xf32>
          %mul3A_730 = vector.broadcast %squeeze3A_666 : f32 to vector<16xf32>
          %mul3A_731 = arith.mulf %mul3A_730, %get3A_729 : vector<16xf32>
          %add3A_732 = arith.addf %add3A_642, %mul3A_731 : vector<16xf32>
          %mul3A_733 = arith.constant 16 : i32
          %mul3A_734 = arith.muli %scan3A_108, %mul3A_733 : i32
          %add3A_735 = arith.constant 6 : i32
          %add3A_736 = arith.addi %mul3A_734, %add3A_735 : i32
          %get3A_737 = arith.index_cast %add3A_736 : i32 to index
          %get3A_738 = arith.constant 96 : index
          %get3A_739 = tpu.vector_load %arg5[%get3A_737, %get3A_738] {strides = array<i32>} : memref<128x128xf32, #tpu.memory_space<vmem>>, vector<1x16xf32>,
          %get3A_740 = vector.shape_cast %get3A_739 : vector<1x16xf32> to vector<16xf32>
          %mul3A_741 = vector.broadcast %squeeze3A_666 : f32 to vector<16xf32>
          %mul3A_742 = arith.mulf %mul3A_741, %get3A_740 : vector<16xf32>
          %add3A_743 = arith.addf %add3A_653, %mul3A_742 : vector<16xf32>
          %mul3A_744 = arith.constant 16 : i32
          %mul3A_745 = arith.muli %scan3A_108, %mul3A_744 : i32
          %add3A_746 = arith.constant 6 : i32
          %add3A_747 = arith.addi %mul3A_745, %add3A_746 : i32
          %get3A_748 = arith.index_cast %add3A_747 : i32 to index
          %get3A_749 = arith.constant 112 : index
          %get3A_750 = tpu.vector_load %arg5[%get3A_748, %get3A_749] {strides = array<i32>} : memref<128x128xf32, #tpu.memory_space<vmem>>, vector<1x16xf32>,
          %get3A_751 = vector.shape_cast %get3A_750 : vector<1x16xf32> to vector<16xf32>
          %mul3A_752 = vector.broadcast %squeeze3A_666 : f32 to vector<16xf32>
          %mul3A_753 = arith.mulf %mul3A_752, %get3A_751 : vector<16xf32>
          %add3A_754 = arith.addf %add3A_664, %mul3A_753 : vector<16xf32>
          %slice3A_755 = vector.extract_strided_slice %convert_element_type3A {offsets = [7], sizes = [1], strides = [1]} : vector<16xf32> to vector<1xf32>
          %squeeze3A_756 = vector.extract %slice3A_755[0] : f32 from vector<1xf32>
          %mul3A_757 = arith.constant 16 : i32
          %mul3A_758 = arith.muli %scan3A_108, %mul3A_757 : i32
          %add3A_759 = arith.constant 7 : i32
          %add3A_760 = arith.addi %mul3A_758, %add3A_759 : i32
          %get3A_761 = arith.index_cast %add3A_760 : i32 to index
          %get3A_762 = arith.constant 0 : index
          %get3A_763 = tpu.vector_load %arg5[%get3A_761, %get3A_762] {strides = array<i32>} : memref<128x128xf32, #tpu.memory_space<vmem>>, vector<1x16xf32>,
          %get3A_764 = vector.shape_cast %get3A_763 : vector<1x16xf32> to vector<16xf32>
          %mul3A_765 = vector.broadcast %squeeze3A_756 : f32 to vector<16xf32>
          %mul3A_766 = arith.mulf %mul3A_765, %get3A_764 : vector<16xf32>
          %add3A_767 = arith.addf %add3A_677, %mul3A_766 : vector<16xf32>
          %mul3A_768 = arith.constant 16 : i32
          %mul3A_769 = arith.muli %scan3A_108, %mul3A_768 : i32
          %add3A_770 = arith.constant 7 : i32
          %add3A_771 = arith.addi %mul3A_769, %add3A_770 : i32
          %get3A_772 = arith.index_cast %add3A_771 : i32 to index
          %get3A_773 = arith.constant 16 : index
          %get3A_774 = tpu.vector_load %arg5[%get3A_772, %get3A_773] {strides = array<i32>} : memref<128x128xf32, #tpu.memory_space<vmem>>, vector<1x16xf32>,
          %get3A_775 = vector.shape_cast %get3A_774 : vector<1x16xf32> to vector<16xf32>
          %mul3A_776 = vector.broadcast %squeeze3A_756 : f32 to vector<16xf32>
          %mul3A_777 = arith.mulf %mul3A_776, %get3A_775 : vector<16xf32>
          %add3A_778 = arith.addf %add3A_688, %mul3A_777 : vector<16xf32>
          %mul3A_779 = arith.constant 16 : i32
          %mul3A_780 = arith.muli %scan3A_108, %mul3A_779 : i32
          %add3A_781 = arith.constant 7 : i32
          %add3A_782 = arith.addi %mul3A_780, %add3A_781 : i32
          %get3A_783 = arith.index_cast %add3A_782 : i32 to index
          %get3A_784 = arith.constant 32 : index
          %get3A_785 = tpu.vector_load %arg5[%get3A_783, %get3A_784] {strides = array<i32>} : memref<128x128xf32, #tpu.memory_space<vmem>>, vector<1x16xf32>,
          %get3A_786 = vector.shape_cast %get3A_785 : vector<1x16xf32> to vector<16xf32>
          %mul3A_787 = vector.broadcast %squeeze3A_756 : f32 to vector<16xf32>
          %mul3A_788 = arith.mulf %mul3A_787, %get3A_786 : vector<16xf32>
          %add3A_789 = arith.addf %add3A_699, %mul3A_788 : vector<16xf32>
          %mul3A_790 = arith.constant 16 : i32
          %mul3A_791 = arith.muli %scan3A_108, %mul3A_790 : i32
          %add3A_792 = arith.constant 7 : i32
          %add3A_793 = arith.addi %mul3A_791, %add3A_792 : i32
          %get3A_794 = arith.index_cast %add3A_793 : i32 to index
          %get3A_795 = arith.constant 48 : index
          %get3A_796 = tpu.vector_load %arg5[%get3A_794, %get3A_795] {strides = array<i32>} : memref<128x128xf32, #tpu.memory_space<vmem>>, vector<1x16xf32>,
          %get3A_797 = vector.shape_cast %get3A_796 : vector<1x16xf32> to vector<16xf32>
          %mul3A_798 = vector.broadcast %squeeze3A_756 : f32 to vector<16xf32>
          %mul3A_799 = arith.mulf %mul3A_798, %get3A_797 : vector<16xf32>
          %add3A_800 = arith.addf %add3A_710, %mul3A_799 : vector<16xf32>
          %mul3A_801 = arith.constant 16 : i32
          %mul3A_802 = arith.muli %scan3A_108, %mul3A_801 : i32
          %add3A_803 = arith.constant 7 : i32
          %add3A_804 = arith.addi %mul3A_802, %add3A_803 : i32
          %get3A_805 = arith.index_cast %add3A_804 : i32 to index
          %get3A_806 = arith.constant 64 : index
          %get3A_807 = tpu.vector_load %arg5[%get3A_805, %get3A_806] {strides = array<i32>} : memref<128x128xf32, #tpu.memory_space<vmem>>, vector<1x16xf32>,
          %get3A_808 = vector.shape_cast %get3A_807 : vector<1x16xf32> to vector<16xf32>
          %mul3A_809 = vector.broadcast %squeeze3A_756 : f32 to vector<16xf32>
          %mul3A_810 = arith.mulf %mul3A_809, %get3A_808 : vector<16xf32>
          %add3A_811 = arith.addf %add3A_721, %mul3A_810 : vector<16xf32>
          %mul3A_812 = arith.constant 16 : i32
          %mul3A_813 = arith.muli %scan3A_108, %mul3A_812 : i32
          %add3A_814 = arith.constant 7 : i32
          %add3A_815 = arith.addi %mul3A_813, %add3A_814 : i32
          %get3A_816 = arith.index_cast %add3A_815 : i32 to index
          %get3A_817 = arith.constant 80 : index
          %get3A_818 = tpu.vector_load %arg5[%get3A_816, %get3A_817] {strides = array<i32>} : memref<128x128xf32, #tpu.memory_space<vmem>>, vector<1x16xf32>,
          %get3A_819 = vector.shape_cast %get3A_818 : vector<1x16xf32> to vector<16xf32>
          %mul3A_820 = vector.broadcast %squeeze3A_756 : f32 to vector<16xf32>
          %mul3A_821 = arith.mulf %mul3A_820, %get3A_819 : vector<16xf32>
          %add3A_822 = arith.addf %add3A_732, %mul3A_821 : vector<16xf32>
          %mul3A_823 = arith.constant 16 : i32
          %mul3A_824 = arith.muli %scan3A_108, %mul3A_823 : i32
          %add3A_825 = arith.constant 7 : i32
          %add3A_826 = arith.addi %mul3A_824, %add3A_825 : i32
          %get3A_827 = arith.index_cast %add3A_826 : i32 to index
          %get3A_828 = arith.constant 96 : index
          %get3A_829 = tpu.vector_load %arg5[%get3A_827, %get3A_828] {strides = array<i32>} : memref<128x128xf32, #tpu.memory_space<vmem>>, vector<1x16xf32>,
          %get3A_830 = vector.shape_cast %get3A_829 : vector<1x16xf32> to vector<16xf32>
          %mul3A_831 = vector.broadcast %squeeze3A_756 : f32 to vector<16xf32>
          %mul3A_832 = arith.mulf %mul3A_831, %get3A_830 : vector<16xf32>
          %add3A_833 = arith.addf %add3A_743, %mul3A_832 : vector<16xf32>
          %mul3A_834 = arith.constant 16 : i32
          %mul3A_835 = arith.muli %scan3A_108, %mul3A_834 : i32
          %add3A_836 = arith.constant 7 : i32
          %add3A_837 = arith.addi %mul3A_835, %add3A_836 : i32
          %get3A_838 = arith.index_cast %add3A_837 : i32 to index
          %get3A_839 = arith.constant 112 : index
          %get3A_840 = tpu.vector_load %arg5[%get3A_838, %get3A_839] {strides = array<i32>} : memref<128x128xf32, #tpu.memory_space<vmem>>, vector<1x16xf32>,
          %get3A_841 = vector.shape_cast %get3A_840 : vector<1x16xf32> to vector<16xf32>
          %mul3A_842 = vector.broadcast %squeeze3A_756 : f32 to vector<16xf32>
          %mul3A_843 = arith.mulf %mul3A_842, %get3A_841 : vector<16xf32>
          %add3A_844 = arith.addf %add3A_754, %mul3A_843 : vector<16xf32>
          %slice3A_845 = vector.extract_strided_slice %convert_element_type3A {offsets = [8], sizes = [1], strides = [1]} : vector<16xf32> to vector<1xf32>
          %squeeze3A_846 = vector.extract %slice3A_845[0] : f32 from vector<1xf32>
          %mul3A_847 = arith.constant 16 : i32
          %mul3A_848 = arith.muli %scan3A_108, %mul3A_847 : i32
          %add3A_849 = arith.constant 8 : i32
          %add3A_850 = arith.addi %mul3A_848, %add3A_849 : i32
          %get3A_851 = arith.index_cast %add3A_850 : i32 to index
          %get3A_852 = arith.constant 0 : index
          %get3A_853 = tpu.vector_load %arg5[%get3A_851, %get3A_852] {strides = array<i32>} : memref<128x128xf32, #tpu.memory_space<vmem>>, vector<1x16xf32>,
          %get3A_854 = vector.shape_cast %get3A_853 : vector<1x16xf32> to vector<16xf32>
          %mul3A_855 = vector.broadcast %squeeze3A_846 : f32 to vector<16xf32>
          %mul3A_856 = arith.mulf %mul3A_855, %get3A_854 : vector<16xf32>
          %add3A_857 = arith.addf %add3A_767, %mul3A_856 : vector<16xf32>
          %mul3A_858 = arith.constant 16 : i32
          %mul3A_859 = arith.muli %scan3A_108, %mul3A_858 : i32
          %add3A_860 = arith.constant 8 : i32
          %add3A_861 = arith.addi %mul3A_859, %add3A_860 : i32
          %get3A_862 = arith.index_cast %add3A_861 : i32 to index
          %get3A_863 = arith.constant 16 : index
          %get3A_864 = tpu.vector_load %arg5[%get3A_862, %get3A_863] {strides = array<i32>} : memref<128x128xf32, #tpu.memory_space<vmem>>, vector<1x16xf32>,
          %get3A_865 = vector.shape_cast %get3A_864 : vector<1x16xf32> to vector<16xf32>
          %mul3A_866 = vector.broadcast %squeeze3A_846 : f32 to vector<16xf32>
          %mul3A_867 = arith.mulf %mul3A_866, %get3A_865 : vector<16xf32>
          %add3A_868 = arith.addf %add3A_778, %mul3A_867 : vector<16xf32>
          %mul3A_869 = arith.constant 16 : i32
          %mul3A_870 = arith.muli %scan3A_108, %mul3A_869 : i32
          %add3A_871 = arith.constant 8 : i32
          %add3A_872 = arith.addi %mul3A_870, %add3A_871 : i32
          %get3A_873 = arith.index_cast %add3A_872 : i32 to index
          %get3A_874 = arith.constant 32 : index
          %get3A_875 = tpu.vector_load %arg5[%get3A_873, %get3A_874] {strides = array<i32>} : memref<128x128xf32, #tpu.memory_space<vmem>>, vector<1x16xf32>,
          %get3A_876 = vector.shape_cast %get3A_875 : vector<1x16xf32> to vector<16xf32>
          %mul3A_877 = vector.broadcast %squeeze3A_846 : f32 to vector<16xf32>
          %mul3A_878 = arith.mulf %mul3A_877, %get3A_876 : vector<16xf32>
          %add3A_879 = arith.addf %add3A_789, %mul3A_878 : vector<16xf32>
          %mul3A_880 = arith.constant 16 : i32
          %mul3A_881 = arith.muli %scan3A_108, %mul3A_880 : i32
          %add3A_882 = arith.constant 8 : i32
          %add3A_883 = arith.addi %mul3A_881, %add3A_882 : i32
          %get3A_884 = arith.index_cast %add3A_883 : i32 to index
          %get3A_885 = arith.constant 48 : index
          %get3A_886 = tpu.vector_load %arg5[%get3A_884, %get3A_885] {strides = array<i32>} : memref<128x128xf32, #tpu.memory_space<vmem>>, vector<1x16xf32>,
          %get3A_887 = vector.shape_cast %get3A_886 : vector<1x16xf32> to vector<16xf32>
          %mul3A_888 = vector.broadcast %squeeze3A_846 : f32 to vector<16xf32>
          %mul3A_889 = arith.mulf %mul3A_888, %get3A_887 : vector<16xf32>
          %add3A_890 = arith.addf %add3A_800, %mul3A_889 : vector<16xf32>
          %mul3A_891 = arith.constant 16 : i32
          %mul3A_892 = arith.muli %scan3A_108, %mul3A_891 : i32
          %add3A_893 = arith.constant 8 : i32
          %add3A_894 = arith.addi %mul3A_892, %add3A_893 : i32
          %get3A_895 = arith.index_cast %add3A_894 : i32 to index
          %get3A_896 = arith.constant 64 : index
          %get3A_897 = tpu.vector_load %arg5[%get3A_895, %get3A_896] {strides = array<i32>} : memref<128x128xf32, #tpu.memory_space<vmem>>, vector<1x16xf32>,
          %get3A_898 = vector.shape_cast %get3A_897 : vector<1x16xf32> to vector<16xf32>
          %mul3A_899 = vector.broadcast %squeeze3A_846 : f32 to vector<16xf32>
          %mul3A_900 = arith.mulf %mul3A_899, %get3A_898 : vector<16xf32>
          %add3A_901 = arith.addf %add3A_811, %mul3A_900 : vector<16xf32>
          %mul3A_902 = arith.constant 16 : i32
          %mul3A_903 = arith.muli %scan3A_108, %mul3A_902 : i32
          %add3A_904 = arith.constant 8 : i32
          %add3A_905 = arith.addi %mul3A_903, %add3A_904 : i32
          %get3A_906 = arith.index_cast %add3A_905 : i32 to index
          %get3A_907 = arith.constant 80 : index
          %get3A_908 = tpu.vector_load %arg5[%get3A_906, %get3A_907] {strides = array<i32>} : memref<128x128xf32, #tpu.memory_space<vmem>>, vector<1x16xf32>,
          %get3A_909 = vector.shape_cast %get3A_908 : vector<1x16xf32> to vector<16xf32>
          %mul3A_910 = vector.broadcast %squeeze3A_846 : f32 to vector<16xf32>
          %mul3A_911 = arith.mulf %mul3A_910, %get3A_909 : vector<16xf32>
          %add3A_912 = arith.addf %add3A_822, %mul3A_911 : vector<16xf32>
          %mul3A_913 = arith.constant 16 : i32
          %mul3A_914 = arith.muli %scan3A_108, %mul3A_913 : i32
          %add3A_915 = arith.constant 8 : i32
          %add3A_916 = arith.addi %mul3A_914, %add3A_915 : i32
          %get3A_917 = arith.index_cast %add3A_916 : i32 to index
          %get3A_918 = arith.constant 96 : index
          %get3A_919 = tpu.vector_load %arg5[%get3A_917, %get3A_918] {strides = array<i32>} : memref<128x128xf32, #tpu.memory_space<vmem>>, vector<1x16xf32>,
          %get3A_920 = vector.shape_cast %get3A_919 : vector<1x16xf32> to vector<16xf32>
          %mul3A_921 = vector.broadcast %squeeze3A_846 : f32 to vector<16xf32>
          %mul3A_922 = arith.mulf %mul3A_921, %get3A_920 : vector<16xf32>
          %add3A_923 = arith.addf %add3A_833, %mul3A_922 : vector<16xf32>
          %mul3A_924 = arith.constant 16 : i32
          %mul3A_925 = arith.muli %scan3A_108, %mul3A_924 : i32
          %add3A_926 = arith.constant 8 : i32
          %add3A_927 = arith.addi %mul3A_925, %add3A_926 : i32
          %get3A_928 = arith.index_cast %add3A_927 : i32 to index
          %get3A_929 = arith.constant 112 : index
          %get3A_930 = tpu.vector_load %arg5[%get3A_928, %get3A_929] {strides = array<i32>} : memref<128x128xf32, #tpu.memory_space<vmem>>, vector<1x16xf32>,
          %get3A_931 = vector.shape_cast %get3A_930 : vector<1x16xf32> to vector<16xf32>
          %mul3A_932 = vector.broadcast %squeeze3A_846 : f32 to vector<16xf32>
          %mul3A_933 = arith.mulf %mul3A_932, %get3A_931 : vector<16xf32>
          %add3A_934 = arith.addf %add3A_844, %mul3A_933 : vector<16xf32>
          %slice3A_935 = vector.extract_strided_slice %convert_element_type3A {offsets = [9], sizes = [1], strides = [1]} : vector<16xf32> to vector<1xf32>
          %squeeze3A_936 = vector.extract %slice3A_935[0] : f32 from vector<1xf32>
          %mul3A_937 = arith.constant 16 : i32
          %mul3A_938 = arith.muli %scan3A_108, %mul3A_937 : i32
          %add3A_939 = arith.constant 9 : i32
          %add3A_940 = arith.addi %mul3A_938, %add3A_939 : i32
          %get3A_941 = arith.index_cast %add3A_940 : i32 to index
          %get3A_942 = arith.constant 0 : index
          %get3A_943 = tpu.vector_load %arg5[%get3A_941, %get3A_942] {strides = array<i32>} : memref<128x128xf32, #tpu.memory_space<vmem>>, vector<1x16xf32>,
          %get3A_944 = vector.shape_cast %get3A_943 : vector<1x16xf32> to vector<16xf32>
          %mul3A_945 = vector.broadcast %squeeze3A_936 : f32 to vector<16xf32>
          %mul3A_946 = arith.mulf %mul3A_945, %get3A_944 : vector<16xf32>
          %add3A_947 = arith.addf %add3A_857, %mul3A_946 : vector<16xf32>
          %mul3A_948 = arith.constant 16 : i32
          %mul3A_949 = arith.muli %scan3A_108, %mul3A_948 : i32
          %add3A_950 = arith.constant 9 : i32
          %add3A_951 = arith.addi %mul3A_949, %add3A_950 : i32
          %get3A_952 = arith.index_cast %add3A_951 : i32 to index
          %get3A_953 = arith.constant 16 : index
          %get3A_954 = tpu.vector_load %arg5[%get3A_952, %get3A_953] {strides = array<i32>} : memref<128x128xf32, #tpu.memory_space<vmem>>, vector<1x16xf32>,
          %get3A_955 = vector.shape_cast %get3A_954 : vector<1x16xf32> to vector<16xf32>
          %mul3A_956 = vector.broadcast %squeeze3A_936 : f32 to vector<16xf32>
          %mul3A_957 = arith.mulf %mul3A_956, %get3A_955 : vector<16xf32>
          %add3A_958 = arith.addf %add3A_868, %mul3A_957 : vector<16xf32>
          %mul3A_959 = arith.constant 16 : i32
          %mul3A_960 = arith.muli %scan3A_108, %mul3A_959 : i32
          %add3A_961 = arith.constant 9 : i32
          %add3A_962 = arith.addi %mul3A_960, %add3A_961 : i32
          %get3A_963 = arith.index_cast %add3A_962 : i32 to index
          %get3A_964 = arith.constant 32 : index
          %get3A_965 = tpu.vector_load %arg5[%get3A_963, %get3A_964] {strides = array<i32>} : memref<128x128xf32, #tpu.memory_space<vmem>>, vector<1x16xf32>,
          %get3A_966 = vector.shape_cast %get3A_965 : vector<1x16xf32> to vector<16xf32>
          %mul3A_967 = vector.broadcast %squeeze3A_936 : f32 to vector<16xf32>
          %mul3A_968 = arith.mulf %mul3A_967, %get3A_966 : vector<16xf32>
          %add3A_969 = arith.addf %add3A_879, %mul3A_968 : vector<16xf32>
          %mul3A_970 = arith.constant 16 : i32
          %mul3A_971 = arith.muli %scan3A_108, %mul3A_970 : i32
          %add3A_972 = arith.constant 9 : i32
          %add3A_973 = arith.addi %mul3A_971, %add3A_972 : i32
          %get3A_974 = arith.index_cast %add3A_973 : i32 to index
          %get3A_975 = arith.constant 48 : index
          %get3A_976 = tpu.vector_load %arg5[%get3A_974, %get3A_975] {strides = array<i32>} : memref<128x128xf32, #tpu.memory_space<vmem>>, vector<1x16xf32>,
          %get3A_977 = vector.shape_cast %get3A_976 : vector<1x16xf32> to vector<16xf32>
          %mul3A_978 = vector.broadcast %squeeze3A_936 : f32 to vector<16xf32>
          %mul3A_979 = arith.mulf %mul3A_978, %get3A_977 : vector<16xf32>
          %add3A_980 = arith.addf %add3A_890, %mul3A_979 : vector<16xf32>
          %mul3A_981 = arith.constant 16 : i32
          %mul3A_982 = arith.muli %scan3A_108, %mul3A_981 : i32
          %add3A_983 = arith.constant 9 : i32
          %add3A_984 = arith.addi %mul3A_982, %add3A_983 : i32
          %get3A_985 = arith.index_cast %add3A_984 : i32 to index
          %get3A_986 = arith.constant 64 : index
          %get3A_987 = tpu.vector_load %arg5[%get3A_985, %get3A_986] {strides = array<i32>} : memref<128x128xf32, #tpu.memory_space<vmem>>, vector<1x16xf32>,
          %get3A_988 = vector.shape_cast %get3A_987 : vector<1x16xf32> to vector<16xf32>
          %mul3A_989 = vector.broadcast %squeeze3A_936 : f32 to vector<16xf32>
          %mul3A_990 = arith.mulf %mul3A_989, %get3A_988 : vector<16xf32>
          %add3A_991 = arith.addf %add3A_901, %mul3A_990 : vector<16xf32>
          %mul3A_992 = arith.constant 16 : i32
          %mul3A_993 = arith.muli %scan3A_108, %mul3A_992 : i32
          %add3A_994 = arith.constant 9 : i32
          %add3A_995 = arith.addi %mul3A_993, %add3A_994 : i32
          %get3A_996 = arith.index_cast %add3A_995 : i32 to index
          %get3A_997 = arith.constant 80 : index
          %get3A_998 = tpu.vector_load %arg5[%get3A_996, %get3A_997] {strides = array<i32>} : memref<128x128xf32, #tpu.memory_space<vmem>>, vector<1x16xf32>,
          %get3A_999 = vector.shape_cast %get3A_998 : vector<1x16xf32> to vector<16xf32>
          %mul3A_1000 = vector.broadcast %squeeze3A_936 : f32 to vector<16xf32>
          %mul3A_1001 = arith.mulf %mul3A_1000, %get3A_999 : vector<16xf32>
          %add3A_1002 = arith.addf %add3A_912, %mul3A_1001 : vector<16xf32>
          %mul3A_1003 = arith.constant 16 : i32
          %mul3A_1004 = arith.muli %scan3A_108, %mul3A_1003 : i32
          %add3A_1005 = arith.constant 9 : i32
          %add3A_1006 = arith.addi %mul3A_1004, %add3A_1005 : i32
          %get3A_1007 = arith.index_cast %add3A_1006 : i32 to index
          %get3A_1008 = arith.constant 96 : index
          %get3A_1009 = tpu.vector_load %arg5[%get3A_1007, %get3A_1008] {strides = array<i32>} : memref<128x128xf32, #tpu.memory_space<vmem>>, vector<1x16xf32>,
          %get3A_1010 = vector.shape_cast %get3A_1009 : vector<1x16xf32> to vector<16xf32>
          %mul3A_1011 = vector.broadcast %squeeze3A_936 : f32 to vector<16xf32>
          %mul3A_1012 = arith.mulf %mul3A_1011, %get3A_1010 : vector<16xf32>
          %add3A_1013 = arith.addf %add3A_923, %mul3A_1012 : vector<16xf32>
          %mul3A_1014 = arith.constant 16 : i32
          %mul3A_1015 = arith.muli %scan3A_108, %mul3A_1014 : i32
          %add3A_1016 = arith.constant 9 : i32
          %add3A_1017 = arith.addi %mul3A_1015, %add3A_1016 : i32
          %get3A_1018 = arith.index_cast %add3A_1017 : i32 to index
          %get3A_1019 = arith.constant 112 : index
          %get3A_1020 = tpu.vector_load %arg5[%get3A_1018, %get3A_1019] {strides = array<i32>} : memref<128x128xf32, #tpu.memory_space<vmem>>, vector<1x16xf32>,
          %get3A_1021 = vector.shape_cast %get3A_1020 : vector<1x16xf32> to vector<16xf32>
          %mul3A_1022 = vector.broadcast %squeeze3A_936 : f32 to vector<16xf32>
          %mul3A_1023 = arith.mulf %mul3A_1022, %get3A_1021 : vector<16xf32>
          %add3A_1024 = arith.addf %add3A_934, %mul3A_1023 : vector<16xf32>
          %slice3A_1025 = vector.extract_strided_slice %convert_element_type3A {offsets = [10], sizes = [1], strides = [1]} : vector<16xf32> to vector<1xf32>
          %squeeze3A_1026 = vector.extract %slice3A_1025[0] : f32 from vector<1xf32>
          %mul3A_1027 = arith.constant 16 : i32
          %mul3A_1028 = arith.muli %scan3A_108, %mul3A_1027 : i32
          %add3A_1029 = arith.constant 10 : i32
          %add3A_1030 = arith.addi %mul3A_1028, %add3A_1029 : i32
          %get3A_1031 = arith.index_cast %add3A_1030 : i32 to index
          %get3A_1032 = arith.constant 0 : index
          %get3A_1033 = tpu.vector_load %arg5[%get3A_1031, %get3A_1032] {strides = array<i32>} : memref<128x128xf32, #tpu.memory_space<vmem>>, vector<1x16xf32>,
          %get3A_1034 = vector.shape_cast %get3A_1033 : vector<1x16xf32> to vector<16xf32>
          %mul3A_1035 = vector.broadcast %squeeze3A_1026 : f32 to vector<16xf32>
          %mul3A_1036 = arith.mulf %mul3A_1035, %get3A_1034 : vector<16xf32>
          %add3A_1037 = arith.addf %add3A_947, %mul3A_1036 : vector<16xf32>
          %mul3A_1038 = arith.constant 16 : i32
          %mul3A_1039 = arith.muli %scan3A_108, %mul3A_1038 : i32
          %add3A_1040 = arith.constant 10 : i32
          %add3A_1041 = arith.addi %mul3A_1039, %add3A_1040 : i32
          %get3A_1042 = arith.index_cast %add3A_1041 : i32 to index
          %get3A_1043 = arith.constant 16 : index
          %get3A_1044 = tpu.vector_load %arg5[%get3A_1042, %get3A_1043] {strides = array<i32>} : memref<128x128xf32, #tpu.memory_space<vmem>>, vector<1x16xf32>,
          %get3A_1045 = vector.shape_cast %get3A_1044 : vector<1x16xf32> to vector<16xf32>
          %mul3A_1046 = vector.broadcast %squeeze3A_1026 : f32 to vector<16xf32>
          %mul3A_1047 = arith.mulf %mul3A_1046, %get3A_1045 : vector<16xf32>
          %add3A_1048 = arith.addf %add3A_958, %mul3A_1047 : vector<16xf32>
          %mul3A_1049 = arith.constant 16 : i32
          %mul3A_1050 = arith.muli %scan3A_108, %mul3A_1049 : i32
          %add3A_1051 = arith.constant 10 : i32
          %add3A_1052 = arith.addi %mul3A_1050, %add3A_1051 : i32
          %get3A_1053 = arith.index_cast %add3A_1052 : i32 to index
          %get3A_1054 = arith.constant 32 : index
          %get3A_1055 = tpu.vector_load %arg5[%get3A_1053, %get3A_1054] {strides = array<i32>} : memref<128x128xf32, #tpu.memory_space<vmem>>, vector<1x16xf32>,
          %get3A_1056 = vector.shape_cast %get3A_1055 : vector<1x16xf32> to vector<16xf32>
          %mul3A_1057 = vector.broadcast %squeeze3A_1026 : f32 to vector<16xf32>
          %mul3A_1058 = arith.mulf %mul3A_1057, %get3A_1056 : vector<16xf32>
          %add3A_1059 = arith.addf %add3A_969, %mul3A_1058 : vector<16xf32>
          %mul3A_1060 = arith.constant 16 : i32
          %mul3A_1061 = arith.muli %scan3A_108, %mul3A_1060 : i32
          %add3A_1062 = arith.constant 10 : i32
          %add3A_1063 = arith.addi %mul3A_1061, %add3A_1062 : i32
          %get3A_1064 = arith.index_cast %add3A_1063 : i32 to index
          %get3A_1065 = arith.constant 48 : index
          %get3A_1066 = tpu.vector_load %arg5[%get3A_1064, %get3A_1065] {strides = array<i32>} : memref<128x128xf32, #tpu.memory_space<vmem>>, vector<1x16xf32>,
          %get3A_1067 = vector.shape_cast %get3A_1066 : vector<1x16xf32> to vector<16xf32>
          %mul3A_1068 = vector.broadcast %squeeze3A_1026 : f32 to vector<16xf32>
          %mul3A_1069 = arith.mulf %mul3A_1068, %get3A_1067 : vector<16xf32>
          %add3A_1070 = arith.addf %add3A_980, %mul3A_1069 : vector<16xf32>
          %mul3A_1071 = arith.constant 16 : i32
          %mul3A_1072 = arith.muli %scan3A_108, %mul3A_1071 : i32
          %add3A_1073 = arith.constant 10 : i32
          %add3A_1074 = arith.addi %mul3A_1072, %add3A_1073 : i32
          %get3A_1075 = arith.index_cast %add3A_1074 : i32 to index
          %get3A_1076 = arith.constant 64 : index
          %get3A_1077 = tpu.vector_load %arg5[%get3A_1075, %get3A_1076] {strides = array<i32>} : memref<128x128xf32, #tpu.memory_space<vmem>>, vector<1x16xf32>,
          %get3A_1078 = vector.shape_cast %get3A_1077 : vector<1x16xf32> to vector<16xf32>
          %mul3A_1079 = vector.broadcast %squeeze3A_1026 : f32 to vector<16xf32>
          %mul3A_1080 = arith.mulf %mul3A_1079, %get3A_1078 : vector<16xf32>
          %add3A_1081 = arith.addf %add3A_991, %mul3A_1080 : vector<16xf32>
          %mul3A_1082 = arith.constant 16 : i32
          %mul3A_1083 = arith.muli %scan3A_108, %mul3A_1082 : i32
          %add3A_1084 = arith.constant 10 : i32
          %add3A_1085 = arith.addi %mul3A_1083, %add3A_1084 : i32
          %get3A_1086 = arith.index_cast %add3A_1085 : i32 to index
          %get3A_1087 = arith.constant 80 : index
          %get3A_1088 = tpu.vector_load %arg5[%get3A_1086, %get3A_1087] {strides = array<i32>} : memref<128x128xf32, #tpu.memory_space<vmem>>, vector<1x16xf32>,
          %get3A_1089 = vector.shape_cast %get3A_1088 : vector<1x16xf32> to vector<16xf32>
          %mul3A_1090 = vector.broadcast %squeeze3A_1026 : f32 to vector<16xf32>
          %mul3A_1091 = arith.mulf %mul3A_1090, %get3A_1089 : vector<16xf32>
          %add3A_1092 = arith.addf %add3A_1002, %mul3A_1091 : vector<16xf32>
          %mul3A_1093 = arith.constant 16 : i32
          %mul3A_1094 = arith.muli %scan3A_108, %mul3A_1093 : i32
          %add3A_1095 = arith.constant 10 : i32
          %add3A_1096 = arith.addi %mul3A_1094, %add3A_1095 : i32
          %get3A_1097 = arith.index_cast %add3A_1096 : i32 to index
          %get3A_1098 = arith.constant 96 : index
          %get3A_1099 = tpu.vector_load %arg5[%get3A_1097, %get3A_1098] {strides = array<i32>} : memref<128x128xf32, #tpu.memory_space<vmem>>, vector<1x16xf32>,
          %get3A_1100 = vector.shape_cast %get3A_1099 : vector<1x16xf32> to vector<16xf32>
          %mul3A_1101 = vector.broadcast %squeeze3A_1026 : f32 to vector<16xf32>
          %mul3A_1102 = arith.mulf %mul3A_1101, %get3A_1100 : vector<16xf32>
          %add3A_1103 = arith.addf %add3A_1013, %mul3A_1102 : vector<16xf32>
          %mul3A_1104 = arith.constant 16 : i32
          %mul3A_1105 = arith.muli %scan3A_108, %mul3A_1104 : i32
          %add3A_1106 = arith.constant 10 : i32
          %add3A_1107 = arith.addi %mul3A_1105, %add3A_1106 : i32
          %get3A_1108 = arith.index_cast %add3A_1107 : i32 to index
          %get3A_1109 = arith.constant 112 : index
          %get3A_1110 = tpu.vector_load %arg5[%get3A_1108, %get3A_1109] {strides = array<i32>} : memref<128x128xf32, #tpu.memory_space<vmem>>, vector<1x16xf32>,
          %get3A_1111 = vector.shape_cast %get3A_1110 : vector<1x16xf32> to vector<16xf32>
          %mul3A_1112 = vector.broadcast %squeeze3A_1026 : f32 to vector<16xf32>
          %mul3A_1113 = arith.mulf %mul3A_1112, %get3A_1111 : vector<16xf32>
          %add3A_1114 = arith.addf %add3A_1024, %mul3A_1113 : vector<16xf32>
          %slice3A_1115 = vector.extract_strided_slice %convert_element_type3A {offsets = [11], sizes = [1], strides = [1]} : vector<16xf32> to vector<1xf32>
          %squeeze3A_1116 = vector.extract %slice3A_1115[0] : f32 from vector<1xf32>
          %mul3A_1117 = arith.constant 16 : i32
          %mul3A_1118 = arith.muli %scan3A_108, %mul3A_1117 : i32
          %add3A_1119 = arith.constant 11 : i32
          %add3A_1120 = arith.addi %mul3A_1118, %add3A_1119 : i32
          %get3A_1121 = arith.index_cast %add3A_1120 : i32 to index
          %get3A_1122 = arith.constant 0 : index
          %get3A_1123 = tpu.vector_load %arg5[%get3A_1121, %get3A_1122] {strides = array<i32>} : memref<128x128xf32, #tpu.memory_space<vmem>>, vector<1x16xf32>,
          %get3A_1124 = vector.shape_cast %get3A_1123 : vector<1x16xf32> to vector<16xf32>
          %mul3A_1125 = vector.broadcast %squeeze3A_1116 : f32 to vector<16xf32>
          %mul3A_1126 = arith.mulf %mul3A_1125, %get3A_1124 : vector<16xf32>
          %add3A_1127 = arith.addf %add3A_1037, %mul3A_1126 : vector<16xf32>
          %mul3A_1128 = arith.constant 16 : i32
          %mul3A_1129 = arith.muli %scan3A_108, %mul3A_1128 : i32
          %add3A_1130 = arith.constant 11 : i32
          %add3A_1131 = arith.addi %mul3A_1129, %add3A_1130 : i32
          %get3A_1132 = arith.index_cast %add3A_1131 : i32 to index
          %get3A_1133 = arith.constant 16 : index
          %get3A_1134 = tpu.vector_load %arg5[%get3A_1132, %get3A_1133] {strides = array<i32>} : memref<128x128xf32, #tpu.memory_space<vmem>>, vector<1x16xf32>,
          %get3A_1135 = vector.shape_cast %get3A_1134 : vector<1x16xf32> to vector<16xf32>
          %mul3A_1136 = vector.broadcast %squeeze3A_1116 : f32 to vector<16xf32>
          %mul3A_1137 = arith.mulf %mul3A_1136, %get3A_1135 : vector<16xf32>
          %add3A_1138 = arith.addf %add3A_1048, %mul3A_1137 : vector<16xf32>
          %mul3A_1139 = arith.constant 16 : i32
          %mul3A_1140 = arith.muli %scan3A_108, %mul3A_1139 : i32
          %add3A_1141 = arith.constant 11 : i32
          %add3A_1142 = arith.addi %mul3A_1140, %add3A_1141 : i32
          %get3A_1143 = arith.index_cast %add3A_1142 : i32 to index
          %get3A_1144 = arith.constant 32 : index
          %get3A_1145 = tpu.vector_load %arg5[%get3A_1143, %get3A_1144] {strides = array<i32>} : memref<128x128xf32, #tpu.memory_space<vmem>>, vector<1x16xf32>,
          %get3A_1146 = vector.shape_cast %get3A_1145 : vector<1x16xf32> to vector<16xf32>
          %mul3A_1147 = vector.broadcast %squeeze3A_1116 : f32 to vector<16xf32>
          %mul3A_1148 = arith.mulf %mul3A_1147, %get3A_1146 : vector<16xf32>
          %add3A_1149 = arith.addf %add3A_1059, %mul3A_1148 : vector<16xf32>
          %mul3A_1150 = arith.constant 16 : i32
          %mul3A_1151 = arith.muli %scan3A_108, %mul3A_1150 : i32
          %add3A_1152 = arith.constant 11 : i32
          %add3A_1153 = arith.addi %mul3A_1151, %add3A_1152 : i32
          %get3A_1154 = arith.index_cast %add3A_1153 : i32 to index
          %get3A_1155 = arith.constant 48 : index
          %get3A_1156 = tpu.vector_load %arg5[%get3A_1154, %get3A_1155] {strides = array<i32>} : memref<128x128xf32, #tpu.memory_space<vmem>>, vector<1x16xf32>,
          %get3A_1157 = vector.shape_cast %get3A_1156 : vector<1x16xf32> to vector<16xf32>
          %mul3A_1158 = vector.broadcast %squeeze3A_1116 : f32 to vector<16xf32>
          %mul3A_1159 = arith.mulf %mul3A_1158, %get3A_1157 : vector<16xf32>
          %add3A_1160 = arith.addf %add3A_1070, %mul3A_1159 : vector<16xf32>
          %mul3A_1161 = arith.constant 16 : i32
          %mul3A_1162 = arith.muli %scan3A_108, %mul3A_1161 : i32
          %add3A_1163 = arith.constant 11 : i32
          %add3A_1164 = arith.addi %mul3A_1162, %add3A_1163 : i32
          %get3A_1165 = arith.index_cast %add3A_1164 : i32 to index
          %get3A_1166 = arith.constant 64 : index
          %get3A_1167 = tpu.vector_load %arg5[%get3A_1165, %get3A_1166] {strides = array<i32>} : memref<128x128xf32, #tpu.memory_space<vmem>>, vector<1x16xf32>,
          %get3A_1168 = vector.shape_cast %get3A_1167 : vector<1x16xf32> to vector<16xf32>
          %mul3A_1169 = vector.broadcast %squeeze3A_1116 : f32 to vector<16xf32>
          %mul3A_1170 = arith.mulf %mul3A_1169, %get3A_1168 : vector<16xf32>
          %add3A_1171 = arith.addf %add3A_1081, %mul3A_1170 : vector<16xf32>
          %mul3A_1172 = arith.constant 16 : i32
          %mul3A_1173 = arith.muli %scan3A_108, %mul3A_1172 : i32
          %add3A_1174 = arith.constant 11 : i32
          %add3A_1175 = arith.addi %mul3A_1173, %add3A_1174 : i32
          %get3A_1176 = arith.index_cast %add3A_1175 : i32 to index
          %get3A_1177 = arith.constant 80 : index
          %get3A_1178 = tpu.vector_load %arg5[%get3A_1176, %get3A_1177] {strides = array<i32>} : memref<128x128xf32, #tpu.memory_space<vmem>>, vector<1x16xf32>,
          %get3A_1179 = vector.shape_cast %get3A_1178 : vector<1x16xf32> to vector<16xf32>
          %mul3A_1180 = vector.broadcast %squeeze3A_1116 : f32 to vector<16xf32>
          %mul3A_1181 = arith.mulf %mul3A_1180, %get3A_1179 : vector<16xf32>
          %add3A_1182 = arith.addf %add3A_1092, %mul3A_1181 : vector<16xf32>
          %mul3A_1183 = arith.constant 16 : i32
          %mul3A_1184 = arith.muli %scan3A_108, %mul3A_1183 : i32
          %add3A_1185 = arith.constant 11 : i32
          %add3A_1186 = arith.addi %mul3A_1184, %add3A_1185 : i32
          %get3A_1187 = arith.index_cast %add3A_1186 : i32 to index
          %get3A_1188 = arith.constant 96 : index
          %get3A_1189 = tpu.vector_load %arg5[%get3A_1187, %get3A_1188] {strides = array<i32>} : memref<128x128xf32, #tpu.memory_space<vmem>>, vector<1x16xf32>,
          %get3A_1190 = vector.shape_cast %get3A_1189 : vector<1x16xf32> to vector<16xf32>
          %mul3A_1191 = vector.broadcast %squeeze3A_1116 : f32 to vector<16xf32>
          %mul3A_1192 = arith.mulf %mul3A_1191, %get3A_1190 : vector<16xf32>
          %add3A_1193 = arith.addf %add3A_1103, %mul3A_1192 : vector<16xf32>
          %mul3A_1194 = arith.constant 16 : i32
          %mul3A_1195 = arith.muli %scan3A_108, %mul3A_1194 : i32
          %add3A_1196 = arith.constant 11 : i32
          %add3A_1197 = arith.addi %mul3A_1195, %add3A_1196 : i32
          %get3A_1198 = arith.index_cast %add3A_1197 : i32 to index
          %get3A_1199 = arith.constant 112 : index
          %get3A_1200 = tpu.vector_load %arg5[%get3A_1198, %get3A_1199] {strides = array<i32>} : memref<128x128xf32, #tpu.memory_space<vmem>>, vector<1x16xf32>,
          %get3A_1201 = vector.shape_cast %get3A_1200 : vector<1x16xf32> to vector<16xf32>
          %mul3A_1202 = vector.broadcast %squeeze3A_1116 : f32 to vector<16xf32>
          %mul3A_1203 = arith.mulf %mul3A_1202, %get3A_1201 : vector<16xf32>
          %add3A_1204 = arith.addf %add3A_1114, %mul3A_1203 : vector<16xf32>
          %slice3A_1205 = vector.extract_strided_slice %convert_element_type3A {offsets = [12], sizes = [1], strides = [1]} : vector<16xf32> to vector<1xf32>
          %squeeze3A_1206 = vector.extract %slice3A_1205[0] : f32 from vector<1xf32>
          %mul3A_1207 = arith.constant 16 : i32
          %mul3A_1208 = arith.muli %scan3A_108, %mul3A_1207 : i32
          %add3A_1209 = arith.constant 12 : i32
          %add3A_1210 = arith.addi %mul3A_1208, %add3A_1209 : i32
          %get3A_1211 = arith.index_cast %add3A_1210 : i32 to index
          %get3A_1212 = arith.constant 0 : index
          %get3A_1213 = tpu.vector_load %arg5[%get3A_1211, %get3A_1212] {strides = array<i32>} : memref<128x128xf32, #tpu.memory_space<vmem>>, vector<1x16xf32>,
          %get3A_1214 = vector.shape_cast %get3A_1213 : vector<1x16xf32> to vector<16xf32>
          %mul3A_1215 = vector.broadcast %squeeze3A_1206 : f32 to vector<16xf32>
          %mul3A_1216 = arith.mulf %mul3A_1215, %get3A_1214 : vector<16xf32>
          %add3A_1217 = arith.addf %add3A_1127, %mul3A_1216 : vector<16xf32>
          %mul3A_1218 = arith.constant 16 : i32
          %mul3A_1219 = arith.muli %scan3A_108, %mul3A_1218 : i32
          %add3A_1220 = arith.constant 12 : i32
          %add3A_1221 = arith.addi %mul3A_1219, %add3A_1220 : i32
          %get3A_1222 = arith.index_cast %add3A_1221 : i32 to index
          %get3A_1223 = arith.constant 16 : index
          %get3A_1224 = tpu.vector_load %arg5[%get3A_1222, %get3A_1223] {strides = array<i32>} : memref<128x128xf32, #tpu.memory_space<vmem>>, vector<1x16xf32>,
          %get3A_1225 = vector.shape_cast %get3A_1224 : vector<1x16xf32> to vector<16xf32>
          %mul3A_1226 = vector.broadcast %squeeze3A_1206 : f32 to vector<16xf32>
          %mul3A_1227 = arith.mulf %mul3A_1226, %get3A_1225 : vector<16xf32>
          %add3A_1228 = arith.addf %add3A_1138, %mul3A_1227 : vector<16xf32>
          %mul3A_1229 = arith.constant 16 : i32
          %mul3A_1230 = arith.muli %scan3A_108, %mul3A_1229 : i32
          %add3A_1231 = arith.constant 12 : i32
          %add3A_1232 = arith.addi %mul3A_1230, %add3A_1231 : i32
          %get3A_1233 = arith.index_cast %add3A_1232 : i32 to index
          %get3A_1234 = arith.constant 32 : index
          %get3A_1235 = tpu.vector_load %arg5[%get3A_1233, %get3A_1234] {strides = array<i32>} : memref<128x128xf32, #tpu.memory_space<vmem>>, vector<1x16xf32>,
          %get3A_1236 = vector.shape_cast %get3A_1235 : vector<1x16xf32> to vector<16xf32>
          %mul3A_1237 = vector.broadcast %squeeze3A_1206 : f32 to vector<16xf32>
          %mul3A_1238 = arith.mulf %mul3A_1237, %get3A_1236 : vector<16xf32>
          %add3A_1239 = arith.addf %add3A_1149, %mul3A_1238 : vector<16xf32>
          %mul3A_1240 = arith.constant 16 : i32
          %mul3A_1241 = arith.muli %scan3A_108, %mul3A_1240 : i32
          %add3A_1242 = arith.constant 12 : i32
          %add3A_1243 = arith.addi %mul3A_1241, %add3A_1242 : i32
          %get3A_1244 = arith.index_cast %add3A_1243 : i32 to index
          %get3A_1245 = arith.constant 48 : index
          %get3A_1246 = tpu.vector_load %arg5[%get3A_1244, %get3A_1245] {strides = array<i32>} : memref<128x128xf32, #tpu.memory_space<vmem>>, vector<1x16xf32>,
          %get3A_1247 = vector.shape_cast %get3A_1246 : vector<1x16xf32> to vector<16xf32>
          %mul3A_1248 = vector.broadcast %squeeze3A_1206 : f32 to vector<16xf32>
          %mul3A_1249 = arith.mulf %mul3A_1248, %get3A_1247 : vector<16xf32>
          %add3A_1250 = arith.addf %add3A_1160, %mul3A_1249 : vector<16xf32>
          %mul3A_1251 = arith.constant 16 : i32
          %mul3A_1252 = arith.muli %scan3A_108, %mul3A_1251 : i32
          %add3A_1253 = arith.constant 12 : i32
          %add3A_1254 = arith.addi %mul3A_1252, %add3A_1253 : i32
          %get3A_1255 = arith.index_cast %add3A_1254 : i32 to index
          %get3A_1256 = arith.constant 64 : index
          %get3A_1257 = tpu.vector_load %arg5[%get3A_1255, %get3A_1256] {strides = array<i32>} : memref<128x128xf32, #tpu.memory_space<vmem>>, vector<1x16xf32>,
          %get3A_1258 = vector.shape_cast %get3A_1257 : vector<1x16xf32> to vector<16xf32>
          %mul3A_1259 = vector.broadcast %squeeze3A_1206 : f32 to vector<16xf32>
          %mul3A_1260 = arith.mulf %mul3A_1259, %get3A_1258 : vector<16xf32>
          %add3A_1261 = arith.addf %add3A_1171, %mul3A_1260 : vector<16xf32>
          %mul3A_1262 = arith.constant 16 : i32
          %mul3A_1263 = arith.muli %scan3A_108, %mul3A_1262 : i32
          %add3A_1264 = arith.constant 12 : i32
          %add3A_1265 = arith.addi %mul3A_1263, %add3A_1264 : i32
          %get3A_1266 = arith.index_cast %add3A_1265 : i32 to index
          %get3A_1267 = arith.constant 80 : index
          %get3A_1268 = tpu.vector_load %arg5[%get3A_1266, %get3A_1267] {strides = array<i32>} : memref<128x128xf32, #tpu.memory_space<vmem>>, vector<1x16xf32>,
          %get3A_1269 = vector.shape_cast %get3A_1268 : vector<1x16xf32> to vector<16xf32>
          %mul3A_1270 = vector.broadcast %squeeze3A_1206 : f32 to vector<16xf32>
          %mul3A_1271 = arith.mulf %mul3A_1270, %get3A_1269 : vector<16xf32>
          %add3A_1272 = arith.addf %add3A_1182, %mul3A_1271 : vector<16xf32>
          %mul3A_1273 = arith.constant 16 : i32
          %mul3A_1274 = arith.muli %scan3A_108, %mul3A_1273 : i32
          %add3A_1275 = arith.constant 12 : i32
          %add3A_1276 = arith.addi %mul3A_1274, %add3A_1275 : i32
          %get3A_1277 = arith.index_cast %add3A_1276 : i32 to index
          %get3A_1278 = arith.constant 96 : index
          %get3A_1279 = tpu.vector_load %arg5[%get3A_1277, %get3A_1278] {strides = array<i32>} : memref<128x128xf32, #tpu.memory_space<vmem>>, vector<1x16xf32>,
          %get3A_1280 = vector.shape_cast %get3A_1279 : vector<1x16xf32> to vector<16xf32>
          %mul3A_1281 = vector.broadcast %squeeze3A_1206 : f32 to vector<16xf32>
          %mul3A_1282 = arith.mulf %mul3A_1281, %get3A_1280 : vector<16xf32>
          %add3A_1283 = arith.addf %add3A_1193, %mul3A_1282 : vector<16xf32>
          %mul3A_1284 = arith.constant 16 : i32
          %mul3A_1285 = arith.muli %scan3A_108, %mul3A_1284 : i32
          %add3A_1286 = arith.constant 12 : i32
          %add3A_1287 = arith.addi %mul3A_1285, %add3A_1286 : i32
          %get3A_1288 = arith.index_cast %add3A_1287 : i32 to index
          %get3A_1289 = arith.constant 112 : index
          %get3A_1290 = tpu.vector_load %arg5[%get3A_1288, %get3A_1289] {strides = array<i32>} : memref<128x128xf32, #tpu.memory_space<vmem>>, vector<1x16xf32>,
          %get3A_1291 = vector.shape_cast %get3A_1290 : vector<1x16xf32> to vector<16xf32>
          %mul3A_1292 = vector.broadcast %squeeze3A_1206 : f32 to vector<16xf32>
          %mul3A_1293 = arith.mulf %mul3A_1292, %get3A_1291 : vector<16xf32>
          %add3A_1294 = arith.addf %add3A_1204, %mul3A_1293 : vector<16xf32>
          %slice3A_1295 = vector.extract_strided_slice %convert_element_type3A {offsets = [13], sizes = [1], strides = [1]} : vector<16xf32> to vector<1xf32>
          %squeeze3A_1296 = vector.extract %slice3A_1295[0] : f32 from vector<1xf32>
          %mul3A_1297 = arith.constant 16 : i32
          %mul3A_1298 = arith.muli %scan3A_108, %mul3A_1297 : i32
          %add3A_1299 = arith.constant 13 : i32
          %add3A_1300 = arith.addi %mul3A_1298, %add3A_1299 : i32
          %get3A_1301 = arith.index_cast %add3A_1300 : i32 to index
          %get3A_1302 = arith.constant 0 : index
          %get3A_1303 = tpu.vector_load %arg5[%get3A_1301, %get3A_1302] {strides = array<i32>} : memref<128x128xf32, #tpu.memory_space<vmem>>, vector<1x16xf32>,
          %get3A_1304 = vector.shape_cast %get3A_1303 : vector<1x16xf32> to vector<16xf32>
          %mul3A_1305 = vector.broadcast %squeeze3A_1296 : f32 to vector<16xf32>
          %mul3A_1306 = arith.mulf %mul3A_1305, %get3A_1304 : vector<16xf32>
          %add3A_1307 = arith.addf %add3A_1217, %mul3A_1306 : vector<16xf32>
          %mul3A_1308 = arith.constant 16 : i32
          %mul3A_1309 = arith.muli %scan3A_108, %mul3A_1308 : i32
          %add3A_1310 = arith.constant 13 : i32
          %add3A_1311 = arith.addi %mul3A_1309, %add3A_1310 : i32
          %get3A_1312 = arith.index_cast %add3A_1311 : i32 to index
          %get3A_1313 = arith.constant 16 : index
          %get3A_1314 = tpu.vector_load %arg5[%get3A_1312, %get3A_1313] {strides = array<i32>} : memref<128x128xf32, #tpu.memory_space<vmem>>, vector<1x16xf32>,
          %get3A_1315 = vector.shape_cast %get3A_1314 : vector<1x16xf32> to vector<16xf32>
          %mul3A_1316 = vector.broadcast %squeeze3A_1296 : f32 to vector<16xf32>
          %mul3A_1317 = arith.mulf %mul3A_1316, %get3A_1315 : vector<16xf32>
          %add3A_1318 = arith.addf %add3A_1228, %mul3A_1317 : vector<16xf32>
          %mul3A_1319 = arith.constant 16 : i32
          %mul3A_1320 = arith.muli %scan3A_108, %mul3A_1319 : i32
          %add3A_1321 = arith.constant 13 : i32
          %add3A_1322 = arith.addi %mul3A_1320, %add3A_1321 : i32
          %get3A_1323 = arith.index_cast %add3A_1322 : i32 to index
          %get3A_1324 = arith.constant 32 : index
          %get3A_1325 = tpu.vector_load %arg5[%get3A_1323, %get3A_1324] {strides = array<i32>} : memref<128x128xf32, #tpu.memory_space<vmem>>, vector<1x16xf32>,
          %get3A_1326 = vector.shape_cast %get3A_1325 : vector<1x16xf32> to vector<16xf32>
          %mul3A_1327 = vector.broadcast %squeeze3A_1296 : f32 to vector<16xf32>
          %mul3A_1328 = arith.mulf %mul3A_1327, %get3A_1326 : vector<16xf32>
          %add3A_1329 = arith.addf %add3A_1239, %mul3A_1328 : vector<16xf32>
          %mul3A_1330 = arith.constant 16 : i32
          %mul3A_1331 = arith.muli %scan3A_108, %mul3A_1330 : i32
          %add3A_1332 = arith.constant 13 : i32
          %add3A_1333 = arith.addi %mul3A_1331, %add3A_1332 : i32
          %get3A_1334 = arith.index_cast %add3A_1333 : i32 to index
          %get3A_1335 = arith.constant 48 : index
          %get3A_1336 = tpu.vector_load %arg5[%get3A_1334, %get3A_1335] {strides = array<i32>} : memref<128x128xf32, #tpu.memory_space<vmem>>, vector<1x16xf32>,
          %get3A_1337 = vector.shape_cast %get3A_1336 : vector<1x16xf32> to vector<16xf32>
          %mul3A_1338 = vector.broadcast %squeeze3A_1296 : f32 to vector<16xf32>
          %mul3A_1339 = arith.mulf %mul3A_1338, %get3A_1337 : vector<16xf32>
          %add3A_1340 = arith.addf %add3A_1250, %mul3A_1339 : vector<16xf32>
          %mul3A_1341 = arith.constant 16 : i32
          %mul3A_1342 = arith.muli %scan3A_108, %mul3A_1341 : i32
          %add3A_1343 = arith.constant 13 : i32
          %add3A_1344 = arith.addi %mul3A_1342, %add3A_1343 : i32
          %get3A_1345 = arith.index_cast %add3A_1344 : i32 to index
          %get3A_1346 = arith.constant 64 : index
          %get3A_1347 = tpu.vector_load %arg5[%get3A_1345, %get3A_1346] {strides = array<i32>} : memref<128x128xf32, #tpu.memory_space<vmem>>, vector<1x16xf32>,
          %get3A_1348 = vector.shape_cast %get3A_1347 : vector<1x16xf32> to vector<16xf32>
          %mul3A_1349 = vector.broadcast %squeeze3A_1296 : f32 to vector<16xf32>
          %mul3A_1350 = arith.mulf %mul3A_1349, %get3A_1348 : vector<16xf32>
          %add3A_1351 = arith.addf %add3A_1261, %mul3A_1350 : vector<16xf32>
          %mul3A_1352 = arith.constant 16 : i32
          %mul3A_1353 = arith.muli %scan3A_108, %mul3A_1352 : i32
          %add3A_1354 = arith.constant 13 : i32
          %add3A_1355 = arith.addi %mul3A_1353, %add3A_1354 : i32
          %get3A_1356 = arith.index_cast %add3A_1355 : i32 to index
          %get3A_1357 = arith.constant 80 : index
          %get3A_1358 = tpu.vector_load %arg5[%get3A_1356, %get3A_1357] {strides = array<i32>} : memref<128x128xf32, #tpu.memory_space<vmem>>, vector<1x16xf32>,
          %get3A_1359 = vector.shape_cast %get3A_1358 : vector<1x16xf32> to vector<16xf32>
          %mul3A_1360 = vector.broadcast %squeeze3A_1296 : f32 to vector<16xf32>
          %mul3A_1361 = arith.mulf %mul3A_1360, %get3A_1359 : vector<16xf32>
          %add3A_1362 = arith.addf %add3A_1272, %mul3A_1361 : vector<16xf32>
          %mul3A_1363 = arith.constant 16 : i32
          %mul3A_1364 = arith.muli %scan3A_108, %mul3A_1363 : i32
          %add3A_1365 = arith.constant 13 : i32
          %add3A_1366 = arith.addi %mul3A_1364, %add3A_1365 : i32
          %get3A_1367 = arith.index_cast %add3A_1366 : i32 to index
          %get3A_1368 = arith.constant 96 : index
          %get3A_1369 = tpu.vector_load %arg5[%get3A_1367, %get3A_1368] {strides = array<i32>} : memref<128x128xf32, #tpu.memory_space<vmem>>, vector<1x16xf32>,
          %get3A_1370 = vector.shape_cast %get3A_1369 : vector<1x16xf32> to vector<16xf32>
          %mul3A_1371 = vector.broadcast %squeeze3A_1296 : f32 to vector<16xf32>
          %mul3A_1372 = arith.mulf %mul3A_1371, %get3A_1370 : vector<16xf32>
          %add3A_1373 = arith.addf %add3A_1283, %mul3A_1372 : vector<16xf32>
          %mul3A_1374 = arith.constant 16 : i32
          %mul3A_1375 = arith.muli %scan3A_108, %mul3A_1374 : i32
          %add3A_1376 = arith.constant 13 : i32
          %add3A_1377 = arith.addi %mul3A_1375, %add3A_1376 : i32
          %get3A_1378 = arith.index_cast %add3A_1377 : i32 to index
          %get3A_1379 = arith.constant 112 : index
          %get3A_1380 = tpu.vector_load %arg5[%get3A_1378, %get3A_1379] {strides = array<i32>} : memref<128x128xf32, #tpu.memory_space<vmem>>, vector<1x16xf32>,
          %get3A_1381 = vector.shape_cast %get3A_1380 : vector<1x16xf32> to vector<16xf32>
          %mul3A_1382 = vector.broadcast %squeeze3A_1296 : f32 to vector<16xf32>
          %mul3A_1383 = arith.mulf %mul3A_1382, %get3A_1381 : vector<16xf32>
          %add3A_1384 = arith.addf %add3A_1294, %mul3A_1383 : vector<16xf32>
          %slice3A_1385 = vector.extract_strided_slice %convert_element_type3A {offsets = [14], sizes = [1], strides = [1]} : vector<16xf32> to vector<1xf32>
          %squeeze3A_1386 = vector.extract %slice3A_1385[0] : f32 from vector<1xf32>
          %mul3A_1387 = arith.constant 16 : i32
          %mul3A_1388 = arith.muli %scan3A_108, %mul3A_1387 : i32
          %add3A_1389 = arith.constant 14 : i32
          %add3A_1390 = arith.addi %mul3A_1388, %add3A_1389 : i32
          %get3A_1391 = arith.index_cast %add3A_1390 : i32 to index
          %get3A_1392 = arith.constant 0 : index
          %get3A_1393 = tpu.vector_load %arg5[%get3A_1391, %get3A_1392] {strides = array<i32>} : memref<128x128xf32, #tpu.memory_space<vmem>>, vector<1x16xf32>,
          %get3A_1394 = vector.shape_cast %get3A_1393 : vector<1x16xf32> to vector<16xf32>
          %mul3A_1395 = vector.broadcast %squeeze3A_1386 : f32 to vector<16xf32>
          %mul3A_1396 = arith.mulf %mul3A_1395, %get3A_1394 : vector<16xf32>
          %add3A_1397 = arith.addf %add3A_1307, %mul3A_1396 : vector<16xf32>
          %mul3A_1398 = arith.constant 16 : i32
          %mul3A_1399 = arith.muli %scan3A_108, %mul3A_1398 : i32
          %add3A_1400 = arith.constant 14 : i32
          %add3A_1401 = arith.addi %mul3A_1399, %add3A_1400 : i32
          %get3A_1402 = arith.index_cast %add3A_1401 : i32 to index
          %get3A_1403 = arith.constant 16 : index
          %get3A_1404 = tpu.vector_load %arg5[%get3A_1402, %get3A_1403] {strides = array<i32>} : memref<128x128xf32, #tpu.memory_space<vmem>>, vector<1x16xf32>,
          %get3A_1405 = vector.shape_cast %get3A_1404 : vector<1x16xf32> to vector<16xf32>
          %mul3A_1406 = vector.broadcast %squeeze3A_1386 : f32 to vector<16xf32>
          %mul3A_1407 = arith.mulf %mul3A_1406, %get3A_1405 : vector<16xf32>
          %add3A_1408 = arith.addf %add3A_1318, %mul3A_1407 : vector<16xf32>
          %mul3A_1409 = arith.constant 16 : i32
          %mul3A_1410 = arith.muli %scan3A_108, %mul3A_1409 : i32
          %add3A_1411 = arith.constant 14 : i32
          %add3A_1412 = arith.addi %mul3A_1410, %add3A_1411 : i32
          %get3A_1413 = arith.index_cast %add3A_1412 : i32 to index
          %get3A_1414 = arith.constant 32 : index
          %get3A_1415 = tpu.vector_load %arg5[%get3A_1413, %get3A_1414] {strides = array<i32>} : memref<128x128xf32, #tpu.memory_space<vmem>>, vector<1x16xf32>,
          %get3A_1416 = vector.shape_cast %get3A_1415 : vector<1x16xf32> to vector<16xf32>
          %mul3A_1417 = vector.broadcast %squeeze3A_1386 : f32 to vector<16xf32>
          %mul3A_1418 = arith.mulf %mul3A_1417, %get3A_1416 : vector<16xf32>
          %add3A_1419 = arith.addf %add3A_1329, %mul3A_1418 : vector<16xf32>
          %mul3A_1420 = arith.constant 16 : i32
          %mul3A_1421 = arith.muli %scan3A_108, %mul3A_1420 : i32
          %add3A_1422 = arith.constant 14 : i32
          %add3A_1423 = arith.addi %mul3A_1421, %add3A_1422 : i32
          %get3A_1424 = arith.index_cast %add3A_1423 : i32 to index
          %get3A_1425 = arith.constant 48 : index
          %get3A_1426 = tpu.vector_load %arg5[%get3A_1424, %get3A_1425] {strides = array<i32>} : memref<128x128xf32, #tpu.memory_space<vmem>>, vector<1x16xf32>,
          %get3A_1427 = vector.shape_cast %get3A_1426 : vector<1x16xf32> to vector<16xf32>
          %mul3A_1428 = vector.broadcast %squeeze3A_1386 : f32 to vector<16xf32>
          %mul3A_1429 = arith.mulf %mul3A_1428, %get3A_1427 : vector<16xf32>
          %add3A_1430 = arith.addf %add3A_1340, %mul3A_1429 : vector<16xf32>
          %mul3A_1431 = arith.constant 16 : i32
          %mul3A_1432 = arith.muli %scan3A_108, %mul3A_1431 : i32
          %add3A_1433 = arith.constant 14 : i32
          %add3A_1434 = arith.addi %mul3A_1432, %add3A_1433 : i32
          %get3A_1435 = arith.index_cast %add3A_1434 : i32 to index
          %get3A_1436 = arith.constant 64 : index
          %get3A_1437 = tpu.vector_load %arg5[%get3A_1435, %get3A_1436] {strides = array<i32>} : memref<128x128xf32, #tpu.memory_space<vmem>>, vector<1x16xf32>,
          %get3A_1438 = vector.shape_cast %get3A_1437 : vector<1x16xf32> to vector<16xf32>
          %mul3A_1439 = vector.broadcast %squeeze3A_1386 : f32 to vector<16xf32>
          %mul3A_1440 = arith.mulf %mul3A_1439, %get3A_1438 : vector<16xf32>
          %add3A_1441 = arith.addf %add3A_1351, %mul3A_1440 : vector<16xf32>
          %mul3A_1442 = arith.constant 16 : i32
          %mul3A_1443 = arith.muli %scan3A_108, %mul3A_1442 : i32
          %add3A_1444 = arith.constant 14 : i32
          %add3A_1445 = arith.addi %mul3A_1443, %add3A_1444 : i32
          %get3A_1446 = arith.index_cast %add3A_1445 : i32 to index
          %get3A_1447 = arith.constant 80 : index
          %get3A_1448 = tpu.vector_load %arg5[%get3A_1446, %get3A_1447] {strides = array<i32>} : memref<128x128xf32, #tpu.memory_space<vmem>>, vector<1x16xf32>,
          %get3A_1449 = vector.shape_cast %get3A_1448 : vector<1x16xf32> to vector<16xf32>
          %mul3A_1450 = vector.broadcast %squeeze3A_1386 : f32 to vector<16xf32>
          %mul3A_1451 = arith.mulf %mul3A_1450, %get3A_1449 : vector<16xf32>
          %add3A_1452 = arith.addf %add3A_1362, %mul3A_1451 : vector<16xf32>
          %mul3A_1453 = arith.constant 16 : i32
          %mul3A_1454 = arith.muli %scan3A_108, %mul3A_1453 : i32
          %add3A_1455 = arith.constant 14 : i32
          %add3A_1456 = arith.addi %mul3A_1454, %add3A_1455 : i32
          %get3A_1457 = arith.index_cast %add3A_1456 : i32 to index
          %get3A_1458 = arith.constant 96 : index
          %get3A_1459 = tpu.vector_load %arg5[%get3A_1457, %get3A_1458] {strides = array<i32>} : memref<128x128xf32, #tpu.memory_space<vmem>>, vector<1x16xf32>,
          %get3A_1460 = vector.shape_cast %get3A_1459 : vector<1x16xf32> to vector<16xf32>
          %mul3A_1461 = vector.broadcast %squeeze3A_1386 : f32 to vector<16xf32>
          %mul3A_1462 = arith.mulf %mul3A_1461, %get3A_1460 : vector<16xf32>
          %add3A_1463 = arith.addf %add3A_1373, %mul3A_1462 : vector<16xf32>
          %mul3A_1464 = arith.constant 16 : i32
          %mul3A_1465 = arith.muli %scan3A_108, %mul3A_1464 : i32
          %add3A_1466 = arith.constant 14 : i32
          %add3A_1467 = arith.addi %mul3A_1465, %add3A_1466 : i32
          %get3A_1468 = arith.index_cast %add3A_1467 : i32 to index
          %get3A_1469 = arith.constant 112 : index
          %get3A_1470 = tpu.vector_load %arg5[%get3A_1468, %get3A_1469] {strides = array<i32>} : memref<128x128xf32, #tpu.memory_space<vmem>>, vector<1x16xf32>,
          %get3A_1471 = vector.shape_cast %get3A_1470 : vector<1x16xf32> to vector<16xf32>
          %mul3A_1472 = vector.broadcast %squeeze3A_1386 : f32 to vector<16xf32>
          %mul3A_1473 = arith.mulf %mul3A_1472, %get3A_1471 : vector<16xf32>
          %add3A_1474 = arith.addf %add3A_1384, %mul3A_1473 : vector<16xf32>
          %slice3A_1475 = vector.extract_strided_slice %convert_element_type3A {offsets = [15], sizes = [1], strides = [1]} : vector<16xf32> to vector<1xf32>
          %squeeze3A_1476 = vector.extract %slice3A_1475[0] : f32 from vector<1xf32>
          %mul3A_1477 = arith.constant 16 : i32
          %mul3A_1478 = arith.muli %scan3A_108, %mul3A_1477 : i32
          %add3A_1479 = arith.constant 15 : i32
          %add3A_1480 = arith.addi %mul3A_1478, %add3A_1479 : i32
          %get3A_1481 = arith.index_cast %add3A_1480 : i32 to index
          %get3A_1482 = arith.constant 0 : index
          %get3A_1483 = tpu.vector_load %arg5[%get3A_1481, %get3A_1482] {strides = array<i32>} : memref<128x128xf32, #tpu.memory_space<vmem>>, vector<1x16xf32>,
          %get3A_1484 = vector.shape_cast %get3A_1483 : vector<1x16xf32> to vector<16xf32>
          %mul3A_1485 = vector.broadcast %squeeze3A_1476 : f32 to vector<16xf32>
          %mul3A_1486 = arith.mulf %mul3A_1485, %get3A_1484 : vector<16xf32>
          %add3A_1487 = arith.addf %add3A_1397, %mul3A_1486 : vector<16xf32>
          %mul3A_1488 = arith.constant 16 : i32
          %mul3A_1489 = arith.muli %scan3A_108, %mul3A_1488 : i32
          %add3A_1490 = arith.constant 15 : i32
          %add3A_1491 = arith.addi %mul3A_1489, %add3A_1490 : i32
          %get3A_1492 = arith.index_cast %add3A_1491 : i32 to index
          %get3A_1493 = arith.constant 16 : index
          %get3A_1494 = tpu.vector_load %arg5[%get3A_1492, %get3A_1493] {strides = array<i32>} : memref<128x128xf32, #tpu.memory_space<vmem>>, vector<1x16xf32>,
          %get3A_1495 = vector.shape_cast %get3A_1494 : vector<1x16xf32> to vector<16xf32>
          %mul3A_1496 = vector.broadcast %squeeze3A_1476 : f32 to vector<16xf32>
          %mul3A_1497 = arith.mulf %mul3A_1496, %get3A_1495 : vector<16xf32>
          %add3A_1498 = arith.addf %add3A_1408, %mul3A_1497 : vector<16xf32>
          %mul3A_1499 = arith.constant 16 : i32
          %mul3A_1500 = arith.muli %scan3A_108, %mul3A_1499 : i32
          %add3A_1501 = arith.constant 15 : i32
          %add3A_1502 = arith.addi %mul3A_1500, %add3A_1501 : i32
          %get3A_1503 = arith.index_cast %add3A_1502 : i32 to index
          %get3A_1504 = arith.constant 32 : index
          %get3A_1505 = tpu.vector_load %arg5[%get3A_1503, %get3A_1504] {strides = array<i32>} : memref<128x128xf32, #tpu.memory_space<vmem>>, vector<1x16xf32>,
          %get3A_1506 = vector.shape_cast %get3A_1505 : vector<1x16xf32> to vector<16xf32>
          %mul3A_1507 = vector.broadcast %squeeze3A_1476 : f32 to vector<16xf32>
          %mul3A_1508 = arith.mulf %mul3A_1507, %get3A_1506 : vector<16xf32>
          %add3A_1509 = arith.addf %add3A_1419, %mul3A_1508 : vector<16xf32>
          %mul3A_1510 = arith.constant 16 : i32
          %mul3A_1511 = arith.muli %scan3A_108, %mul3A_1510 : i32
          %add3A_1512 = arith.constant 15 : i32
          %add3A_1513 = arith.addi %mul3A_1511, %add3A_1512 : i32
          %get3A_1514 = arith.index_cast %add3A_1513 : i32 to index
          %get3A_1515 = arith.constant 48 : index
          %get3A_1516 = tpu.vector_load %arg5[%get3A_1514, %get3A_1515] {strides = array<i32>} : memref<128x128xf32, #tpu.memory_space<vmem>>, vector<1x16xf32>,
          %get3A_1517 = vector.shape_cast %get3A_1516 : vector<1x16xf32> to vector<16xf32>
          %mul3A_1518 = vector.broadcast %squeeze3A_1476 : f32 to vector<16xf32>
          %mul3A_1519 = arith.mulf %mul3A_1518, %get3A_1517 : vector<16xf32>
          %add3A_1520 = arith.addf %add3A_1430, %mul3A_1519 : vector<16xf32>
          %mul3A_1521 = arith.constant 16 : i32
          %mul3A_1522 = arith.muli %scan3A_108, %mul3A_1521 : i32
          %add3A_1523 = arith.constant 15 : i32
          %add3A_1524 = arith.addi %mul3A_1522, %add3A_1523 : i32
          %get3A_1525 = arith.index_cast %add3A_1524 : i32 to index
          %get3A_1526 = arith.constant 64 : index
          %get3A_1527 = tpu.vector_load %arg5[%get3A_1525, %get3A_1526] {strides = array<i32>} : memref<128x128xf32, #tpu.memory_space<vmem>>, vector<1x16xf32>,
          %get3A_1528 = vector.shape_cast %get3A_1527 : vector<1x16xf32> to vector<16xf32>
          %mul3A_1529 = vector.broadcast %squeeze3A_1476 : f32 to vector<16xf32>
          %mul3A_1530 = arith.mulf %mul3A_1529, %get3A_1528 : vector<16xf32>
          %add3A_1531 = arith.addf %add3A_1441, %mul3A_1530 : vector<16xf32>
          %mul3A_1532 = arith.constant 16 : i32
          %mul3A_1533 = arith.muli %scan3A_108, %mul3A_1532 : i32
          %add3A_1534 = arith.constant 15 : i32
          %add3A_1535 = arith.addi %mul3A_1533, %add3A_1534 : i32
          %get3A_1536 = arith.index_cast %add3A_1535 : i32 to index
          %get3A_1537 = arith.constant 80 : index
          %get3A_1538 = tpu.vector_load %arg5[%get3A_1536, %get3A_1537] {strides = array<i32>} : memref<128x128xf32, #tpu.memory_space<vmem>>, vector<1x16xf32>,
          %get3A_1539 = vector.shape_cast %get3A_1538 : vector<1x16xf32> to vector<16xf32>
          %mul3A_1540 = vector.broadcast %squeeze3A_1476 : f32 to vector<16xf32>
          %mul3A_1541 = arith.mulf %mul3A_1540, %get3A_1539 : vector<16xf32>
          %add3A_1542 = arith.addf %add3A_1452, %mul3A_1541 : vector<16xf32>
          %mul3A_1543 = arith.constant 16 : i32
          %mul3A_1544 = arith.muli %scan3A_108, %mul3A_1543 : i32
          %add3A_1545 = arith.constant 15 : i32
          %add3A_1546 = arith.addi %mul3A_1544, %add3A_1545 : i32
          %get3A_1547 = arith.index_cast %add3A_1546 : i32 to index
          %get3A_1548 = arith.constant 96 : index
          %get3A_1549 = tpu.vector_load %arg5[%get3A_1547, %get3A_1548] {strides = array<i32>} : memref<128x128xf32, #tpu.memory_space<vmem>>, vector<1x16xf32>,
          %get3A_1550 = vector.shape_cast %get3A_1549 : vector<1x16xf32> to vector<16xf32>
          %mul3A_1551 = vector.broadcast %squeeze3A_1476 : f32 to vector<16xf32>
          %mul3A_1552 = arith.mulf %mul3A_1551, %get3A_1550 : vector<16xf32>
          %add3A_1553 = arith.addf %add3A_1463, %mul3A_1552 : vector<16xf32>
          %mul3A_1554 = arith.constant 16 : i32
          %mul3A_1555 = arith.muli %scan3A_108, %mul3A_1554 : i32
          %add3A_1556 = arith.constant 15 : i32
          %add3A_1557 = arith.addi %mul3A_1555, %add3A_1556 : i32
          %get3A_1558 = arith.index_cast %add3A_1557 : i32 to index
          %get3A_1559 = arith.constant 112 : index
          %get3A_1560 = tpu.vector_load %arg5[%get3A_1558, %get3A_1559] {strides = array<i32>} : memref<128x128xf32, #tpu.memory_space<vmem>>, vector<1x16xf32>,
          %get3A_1561 = vector.shape_cast %get3A_1560 : vector<1x16xf32> to vector<16xf32>
          %mul3A_1562 = vector.broadcast %squeeze3A_1476 : f32 to vector<16xf32>
          %mul3A_1563 = arith.mulf %mul3A_1562, %get3A_1561 : vector<16xf32>
          %add3A_1564 = arith.addf %add3A_1474, %mul3A_1563 : vector<16xf32>
          scf.yield %add3A_1487, %add3A_1498, %add3A_1509, %add3A_1520, %add3A_1531, %add3A_1542, %add3A_1553, %add3A_1564 : vector<16xf32>, vector<16xf32>, vector<16xf32>, vector<16xf32>, vector<16xf32>, vector<16xf32>, vector<16xf32>, vector<16xf32>
        }
        %scan3A_67 = arith.constant 8 : i32
        %swap3A = arith.index_cast %scan3A_28 : i32 to index
        %swap3A_68 = arith.constant 0 : index
        %swap3A_69 = tpu.vector_load %arg7[%swap3A, %swap3A_68] {strides = array<i32>} : memref<32x128xf32, #tpu.memory_space<vmem>>, vector<1x16xf32>,
        %swap3A_70 = vector.shape_cast %swap3A_69 : vector<1x16xf32> to vector<16xf32>
        %swap3A_71 = vector.shape_cast %scan3A_66#0 : vector<16xf32> to vector<1x16xf32>
        tpu.vector_store %arg7[%swap3A, %swap3A_68], %swap3A_71 {strides = array<i32>} : memref<32x128xf32, #tpu.memory_space<vmem>>, vector<1x16xf32>,
        %swap3A_72 = arith.index_cast %scan3A_28 : i32 to index
        %swap3A_73 = arith.constant 16 : index
        %swap3A_74 = tpu.vector_load %arg7[%swap3A_72, %swap3A_73] {strides = array<i32>} : memref<32x128xf32, #tpu.memory_space<vmem>>, vector<1x16xf32>,
        %swap3A_75 = vector.shape_cast %swap3A_74 : vector<1x16xf32> to vector<16xf32>
        %swap3A_76 = vector.shape_cast %scan3A_66#1 : vector<16xf32> to vector<1x16xf32>
        tpu.vector_store %arg7[%swap3A_72, %swap3A_73], %swap3A_76 {strides = array<i32>} : memref<32x128xf32, #tpu.memory_space<vmem>>, vector<1x16xf32>,
        %swap3A_77 = arith.index_cast %scan3A_28 : i32 to index
        %swap3A_78 = arith.constant 32 : index
        %swap3A_79 = tpu.vector_load %arg7[%swap3A_77, %swap3A_78] {strides = array<i32>} : memref<32x128xf32, #tpu.memory_space<vmem>>, vector<1x16xf32>,
        %swap3A_80 = vector.shape_cast %swap3A_79 : vector<1x16xf32> to vector<16xf32>
        %swap3A_81 = vector.shape_cast %scan3A_66#2 : vector<16xf32> to vector<1x16xf32>
        tpu.vector_store %arg7[%swap3A_77, %swap3A_78], %swap3A_81 {strides = array<i32>} : memref<32x128xf32, #tpu.memory_space<vmem>>, vector<1x16xf32>,
        %swap3A_82 = arith.index_cast %scan3A_28 : i32 to index
        %swap3A_83 = arith.constant 48 : index
        %swap3A_84 = tpu.vector_load %arg7[%swap3A_82, %swap3A_83] {strides = array<i32>} : memref<32x128xf32, #tpu.memory_space<vmem>>, vector<1x16xf32>,
        %swap3A_85 = vector.shape_cast %swap3A_84 : vector<1x16xf32> to vector<16xf32>
        %swap3A_86 = vector.shape_cast %scan3A_66#3 : vector<16xf32> to vector<1x16xf32>
        tpu.vector_store %arg7[%swap3A_82, %swap3A_83], %swap3A_86 {strides = array<i32>} : memref<32x128xf32, #tpu.memory_space<vmem>>, vector<1x16xf32>,
        %swap3A_87 = arith.index_cast %scan3A_28 : i32 to index
        %swap3A_88 = arith.constant 64 : index
        %swap3A_89 = tpu.vector_load %arg7[%swap3A_87, %swap3A_88] {strides = array<i32>} : memref<32x128xf32, #tpu.memory_space<vmem>>, vector<1x16xf32>,
        %swap3A_90 = vector.shape_cast %swap3A_89 : vector<1x16xf32> to vector<16xf32>
        %swap3A_91 = vector.shape_cast %scan3A_66#4 : vector<16xf32> to vector<1x16xf32>
        tpu.vector_store %arg7[%swap3A_87, %swap3A_88], %swap3A_91 {strides = array<i32>} : memref<32x128xf32, #tpu.memory_space<vmem>>, vector<1x16xf32>,
        %swap3A_92 = arith.index_cast %scan3A_28 : i32 to index
        %swap3A_93 = arith.constant 80 : index
        %swap3A_94 = tpu.vector_load %arg7[%swap3A_92, %swap3A_93] {strides = array<i32>} : memref<32x128xf32, #tpu.memory_space<vmem>>, vector<1x16xf32>,
        %swap3A_95 = vector.shape_cast %swap3A_94 : vector<1x16xf32> to vector<16xf32>
        %swap3A_96 = vector.shape_cast %scan3A_66#5 : vector<16xf32> to vector<1x16xf32>
        tpu.vector_store %arg7[%swap3A_92, %swap3A_93], %swap3A_96 {strides = array<i32>} : memref<32x128xf32, #tpu.memory_space<vmem>>, vector<1x16xf32>,
        %swap3A_97 = arith.index_cast %scan3A_28 : i32 to index
        %swap3A_98 = arith.constant 96 : index
        %swap3A_99 = tpu.vector_load %arg7[%swap3A_97, %swap3A_98] {strides = array<i32>} : memref<32x128xf32, #tpu.memory_space<vmem>>, vector<1x16xf32>,
        %swap3A_100 = vector.shape_cast %swap3A_99 : vector<1x16xf32> to vector<16xf32>
        %swap3A_101 = vector.shape_cast %scan3A_66#6 : vector<16xf32> to vector<1x16xf32>
        tpu.vector_store %arg7[%swap3A_97, %swap3A_98], %swap3A_101 {strides = array<i32>} : memref<32x128xf32, #tpu.memory_space<vmem>>, vector<1x16xf32>,
        %swap3A_102 = arith.index_cast %scan3A_28 : i32 to index
        %swap3A_103 = arith.constant 112 : index
        %swap3A_104 = tpu.vector_load %arg7[%swap3A_102, %swap3A_103] {strides = array<i32>} : memref<32x128xf32, #tpu.memory_space<vmem>>, vector<1x16xf32>,
        %swap3A_105 = vector.shape_cast %swap3A_104 : vector<1x16xf32> to vector<16xf32>
        %swap3A_106 = vector.shape_cast %scan3A_66#7 : vector<16xf32> to vector<1x16xf32>
        tpu.vector_store %arg7[%swap3A_102, %swap3A_103], %swap3A_106 {strides = array<i32>} : memref<32x128xf32, #tpu.memory_space<vmem>>, vector<1x16xf32>,
        %scan3A_107 = arith.constant 0 : i32
        scf.yield %scan3A_107 : i32
      }
      %scan3A_26 = arith.constant 32 : i32
      %scan3A_27 = arith.constant 0 : i32
      scf.yield %scan3A_27 : i32
    }
    %scan3A_15 = arith.constant 8 : i32
    "tpu.region"() ({
      %run_scoped3A = tpu.sem_alloc : memref<!tpu.dma_semaphore, #tpu.memory_space<semaphore_mem>>
      %dma_start3A = arith.constant 0 : i32
      %dma_start3A_16 = tpu.memref_slice %arg4[%mul3A_2, %dma_start3A] : memref<1024x128xf32, #tpu.memory_space<hbm>> -> memref<32x128xf32, #tpu.memory_space<hbm>>
      %dma_start3A_17 = arith.constant 0 : i32
      %dma_start3A_18 = tpu.memref_slice %arg4[%mul3A_2, %dma_start3A_17] : memref<1024x128xf32, #tpu.memory_space<hbm>> -> memref<32x128xf32, #tpu.memory_space<hbm>>
      tpu.enqueue_dma source(%arg7 : memref<32x128xf32, #tpu.memory_space<vmem>>) target(%dma_start3A_18 : memref<32x128xf32, #tpu.memory_space<hbm>>) target_semaphore(%run_scoped3A : memref<!tpu.dma_semaphore, #tpu.memory_space<semaphore_mem>>)
      %dma_wait3A = arith.constant 0 : i32
      %dma_wait3A_19 = tpu.memref_slice %arg4[%mul3A_2, %dma_wait3A] : memref<1024x128xf32, #tpu.memory_space<hbm>> -> memref<32x128xf32, #tpu.memory_space<hbm>>
      %dma_wait3A_20 = arith.constant 0 : i32
      %dma_wait3A_21 = tpu.memref_slice %arg4[%mul3A_2, %dma_wait3A_20] : memref<1024x128xf32, #tpu.memory_space<hbm>> -> memref<32x128xf32, #tpu.memory_space<hbm>>
      tpu.wait_dma2 semaphore(%run_scoped3A : memref<!tpu.dma_semaphore, #tpu.memory_space<semaphore_mem>>) src(%arg7 : memref<32x128xf32, #tpu.memory_space<vmem>>) dst(%dma_wait3A_21 : memref<32x128xf32, #tpu.memory_space<hbm>>)
      tpu.yield
    }) : () -> ()
    return
  }
}

module attributes {stable_mosaic.version = 14 : i64} {
  func.func @_ffn_kernel(%arg0: i32, %arg1: memref<512x1024xi32, #tpu.memory_space<vmem>>, %arg2: memref<512x128xf32, #tpu.memory_space<vmem>>, %arg3: memref<128x256xf32, #tpu.memory_space<vmem>>, %arg4: memref<1x256xf32, #tpu.memory_space<vmem>>, %arg5: memref<1x256xf32, #tpu.memory_space<vmem>>, %arg6: memref<1x1xf32, #tpu.memory_space<vmem>>, %arg7: memref<512x1xf32, #tpu.memory_space<vmem>>) attributes {dimension_semantics = [#tpu.dimension_semantics<arbitrary>], iteration_bounds = array<i64: 2>, scalar_prefetch = 0 : i64, scratch_operands = 0 : i64, tpu.core_type = #tpu.core_type<tc>, window_params = [{transform_indices = @transform_0, window_bounds = array<i64: 512, 1024>}, {transform_indices = @transform_1, window_bounds = array<i64: 512, 128>}, {pipeline_mode = #tpu.pipeline_mode<synchronous>, transform_indices = @transform_2, window_bounds = array<i64: 128, 256>}, {pipeline_mode = #tpu.pipeline_mode<synchronous>, transform_indices = @transform_3, window_bounds = array<i64: 1, 256>}, {pipeline_mode = #tpu.pipeline_mode<synchronous>, transform_indices = @transform_4, window_bounds = array<i64: 1, 256>}, {pipeline_mode = #tpu.pipeline_mode<synchronous>, transform_indices = @transform_5, window_bounds = array<i64: 1, 1>}, {transform_indices = @transform_6, window_bounds = array<i64: 512, 1>}]} {
    %get3A = arith.constant 0 : index
    %get3A_0 = arith.constant 0 : index
    %get3A_1 = vector.load %arg1[%get3A, %get3A_0] : memref<512x1024xi32, #tpu.memory_space<vmem>>, vector<512x1024xi32>
    %convert_element_type3A = arith.sitofp %get3A_1 : vector<512x1024xi32> to vector<512x1024xf32>
    %reduce_sum3A = arith.constant dense<0.000000e+00> : vector<512xf32>
    %reduce_sum3A_2 = vector.multi_reduction <add>, %convert_element_type3A, %reduce_sum3A [1] : vector<512x1024xf32> to vector<512xf32>
    %broadcast_in_dim3A = vector.shape_cast %reduce_sum3A_2 : vector<512xf32> to vector<512x1xf32>
    %get3A_3 = arith.constant 0 : index
    %get3A_4 = arith.constant 0 : index
    %get3A_5 = vector.load %arg2[%get3A_3, %get3A_4] : memref<512x128xf32, #tpu.memory_space<vmem>>, vector<512x128xf32>
    %add3A = arith.constant 9.99999997E-7 : f32
    %add3A_6 = vector.broadcast %add3A : f32 to vector<512x1xf32>
    %add3A_7 = arith.addf %broadcast_in_dim3A, %add3A_6 : vector<512x1xf32>
    %div3A = vector.broadcast %add3A_7 : vector<512x1xf32> to vector<512x128xf32>
    %div3A_8 = arith.divf %get3A_5, %div3A : vector<512x128xf32>
    %get3A_9 = arith.constant 0 : index
    %get3A_10 = arith.constant 0 : index
    %get3A_11 = vector.load %arg3[%get3A_9, %get3A_10] : memref<128x256xf32, #tpu.memory_space<vmem>>, vector<128x256xf32>
    %dot_general3A = arith.constant dense<0.000000e+00> : vector<512x256xf32>
    %dot_general3A_12 = tpu.matmul %div3A_8, %get3A_11, %dot_general3A {dimension_numbers = #tpu.dot_dimension_numbers<[1], [0], [0], [1], [0, 0, 1, 1], [], []>, transpose_lhs_hint = false} : vector<512x128xf32>, vector<128x256xf32>, vector<512x256xf32> -> vector<512x256xf32>
    %get3A_13 = arith.constant 0 : index
    %get3A_14 = arith.constant 0 : index
    %get3A_15 = vector.load %arg4[%get3A_13, %get3A_14] : memref<1x256xf32, #tpu.memory_space<vmem>>, vector<1x256xf32>
    %add3A_16 = vector.broadcast %get3A_15 : vector<1x256xf32> to vector<512x256xf32>
    %add3A_17 = arith.addf %dot_general3A_12, %add3A_16 : vector<512x256xf32>
    %max3A = arith.constant 0.000000e+00 : f32
    %max3A_18 = vector.broadcast %max3A : f32 to vector<512x256xf32>
    %max3A_19 = arith.maximumf %add3A_17, %max3A_18 : vector<512x256xf32>
    %get3A_20 = arith.constant 0 : index
    %get3A_21 = arith.constant 0 : index
    %get3A_22 = vector.load %arg5[%get3A_20, %get3A_21] : memref<1x256xf32, #tpu.memory_space<vmem>>, vector<1x256xf32>
    %mul3A = vector.broadcast %get3A_22 : vector<1x256xf32> to vector<512x256xf32>
    %mul3A_23 = arith.mulf %max3A_19, %mul3A : vector<512x256xf32>
    %reduce_sum3A_24 = arith.constant dense<0.000000e+00> : vector<512xf32>
    %reduce_sum3A_25 = vector.multi_reduction <add>, %mul3A_23, %reduce_sum3A_24 [1] : vector<512x256xf32> to vector<512xf32>
    %broadcast_in_dim3A_26 = vector.shape_cast %reduce_sum3A_25 : vector<512xf32> to vector<512x1xf32>
    %get3A_27 = arith.constant 0 : index
    %get3A_28 = arith.constant 0 : index
    %get3A_29 = vector.load %arg6[%get3A_27, %get3A_28] : memref<1x1xf32, #tpu.memory_space<vmem>>, vector<1x1xf32>
    %get3A_30 = vector.extract %get3A_29[0, 0] : f32 from vector<1x1xf32>
    %add3A_31 = vector.broadcast %get3A_30 : f32 to vector<512x1xf32>
    %add3A_32 = arith.addf %broadcast_in_dim3A_26, %add3A_31 : vector<512x1xf32>
    %swap3A = arith.constant 0 : index
    %swap3A_33 = arith.constant 0 : index
    %swap3A_34 = vector.load %arg7[%swap3A, %swap3A_33] : memref<512x1xf32, #tpu.memory_space<vmem>>, vector<512x1xf32>
    tpu.vector_store %arg7[%swap3A, %swap3A_33], %add3A_32 {strides = array<i32>} : memref<512x1xf32, #tpu.memory_space<vmem>>, vector<512x1xf32>,
    return
  }
  func.func @transform_0(%arg0: i32) -> (i32, i32) {
    %c0_i32 = arith.constant 0 : i32
    %c0_i32_0 = arith.constant 0 : i32
    return %arg0, %c0_i32 : i32, i32
  }
  func.func @transform_1(%arg0: i32) -> (i32, i32) {
    %c0_i32 = arith.constant 0 : i32
    %c0_i32_0 = arith.constant 0 : i32
    return %arg0, %c0_i32 : i32, i32
  }
  func.func @transform_2(%arg0: i32) -> (i32, i32) {
    %c0_i32 = arith.constant 0 : i32
    %c0_i32_0 = arith.constant 0 : i32
    %c0_i32_1 = arith.constant 0 : i32
    return %c0_i32, %c0_i32_0 : i32, i32
  }
  func.func @transform_3(%arg0: i32) -> (i32, i32) {
    %c0_i32 = arith.constant 0 : i32
    %c0_i32_0 = arith.constant 0 : i32
    %c0_i32_1 = arith.constant 0 : i32
    return %c0_i32, %c0_i32_0 : i32, i32
  }
  func.func @transform_4(%arg0: i32) -> (i32, i32) {
    %c0_i32 = arith.constant 0 : i32
    %c0_i32_0 = arith.constant 0 : i32
    %c0_i32_1 = arith.constant 0 : i32
    return %c0_i32, %c0_i32_0 : i32, i32
  }
  func.func @transform_5(%arg0: i32) -> (i32, i32) {
    %c0_i32 = arith.constant 0 : i32
    %c0_i32_0 = arith.constant 0 : i32
    %c0_i32_1 = arith.constant 0 : i32
    return %c0_i32, %c0_i32_0 : i32, i32
  }
  func.func @transform_6(%arg0: i32) -> (i32, i32) {
    %c0_i32 = arith.constant 0 : i32
    %c0_i32_0 = arith.constant 0 : i32
    return %arg0, %c0_i32 : i32, i32
  }
}

</mosaic_0001>

<sc_bundles>
// kernel: kernel.4.cloned.1.call-start
scs
__scs_entry_jumppad:
0x0: {  	(pc) =	sbr.rel $0x88, $3  }
0x1: {  	(tag) =	ssettag $0x0;
	lr =	simm.s32 $0x1  }
0x2: {  	[smem:$0x3F9B] =	sst lr;
	_ =	strace $0xD0000000  }
0x3: {  	_ = 	snop  }
0x4: {  	_ = 	snop  }
0x5: {  	_ = 	snop  }
0x6: {  	_ = 	snop  }
0x7: {  	_ = 	snop  }
__scs_overlays_trampoline_lowered:
0x8: {  	[smem:$0x3FAA] =	sst s0  }
0x9: {  	[smem:$0x3FAB] =	sst s1  }
0xa: {  	[smem:$0x3FAC] =	sst s2  }
0xb: {  	[smem:$0x3FAD] =	sst s3  }
0xc: {  	[smem:$0x3FAE] =	sst s4  }
0xd: {  	[smem:$0x3FAF] =	sst s5  }
0xe: {  	[smem:$0x3FB0] =	sst s6  }
0xf: {  	[smem:$0x3FB1] =	sst s7  }
0x10: {  	[smem:$0x3FB2] =	sst s8  }
0x11: {  	[smem:$0x3FB3] =	sst s9;
	s0 =	simm.s32 @!p0 $0x0  }
0x12: {  	s1 =	sld [smem:$0x3F99];
	s0 =	simm.s32 @p0 $0x1  }
0x13: {  	[smem:$0x3FB4] =	sst s0;
	s0 =	simm.s32 @!p1 $0x0  }
0x14: {  	s2 =	sld [smem:$0x3F98];
	s0 =	simm.s32 @p1 $0x1  }
0x15: {  	[smem:$0x3FB5] =	sst s0;
	s0 =	simm.s32 @!p2 $0x0  }
0x16: {  	s3 =	sld [smem:$0x3FDB];
	s0 =	simm.s32 @p2 $0x1  }
0x17: {  	s4 =	simm.s32 $0x1BF5;
	[smem:$0x3FB7] =	sst s0  }
0x18: {  	s0 =	sld [smem:$0x3F9A];
	_ =	swait.ge [sflag:s4], $0x0  }
0x19: {  	s7 =	sld [smem:$0x3F9B]  }
0x1a: {  	s8 =	sadd.s32 $0xFFFFE003, lr  }
0x1b: {  	s9 =	sadd.s32 $0xFFFFFEF7, lr;
	s5 =	simm.s32 $0xFFFFFFFF;
	p2 =	slt.u32 s8, $0xFFFFF086  }
0x1c: {  	p1 =	slt.u32 s9, $0xF7A;
	s5 =	simm.s32 @!p2 $0x0  }
0x1d: {  	s5 =	simm.s32 @p1 $0x1;
	p0 =	seq.s32 s7, s2  }
0x1e: {  	s7 =	smul.u32 @!p0 $0xF7A, s2;
	p2 =	seq.s32 @!p0 s5, $0x0  }
0x1f: {  	s9 =	smul.u32 $0xF7A, s1;
	s8 =	simm.s32 @!p0 $0x1BF5;
	p2 =	por !p2, p0  }
0x20: {  	[sflag:s8] =	ssyncset.s32 @!p0 $0xFFFFF086;
	s6 =	sadd.s32 @!p0 s3, s7;
	s7 =	simm.s32 @!p0 $0x108  }
0x21: {  	s3 =	sadd.s32 s3, s9;
	s6 =	sadd.s32 @!p0 $0x88, s6;
	s7 =	simm.s32 @p2 $0x1082  }
0x22: {  	[simem:s7], [sflag:s8] =	dma.local @!p0 [hbm:s6], $0xF7A  }
0x23: {  	s9 =	sor.u32 $0xD0000000, s2;
	s6 =	simm.s32 $0x108;
	_ =	swait.ge @!p0 [sflag:s8], $0x0  }
0x24: {  	s3 =	sadd.s32 $0x88, s3;
	s6 =	simm.s32 @!p1 $0x1082;
	[sflag:s4] =	ssyncset.s32 $0xFFFFF086  }
0x25: {  	[simem:s6], [sflag:s4] =	dma.local [hbm:s3], $0xF7A  }
0x26: {  	[smem:$0x3F9B] =	sst s1;
	(tag) =	ssettag s2;
	_ =	strace s9  }
0x27: {  	s1 =	sld [smem:$0x3FAB]  }
0x28: {  	s2 =	sld [smem:$0x3FAC]  }
0x29: {  	s4 =	sld [smem:$0x3FAE]  }
0x2a: {  	p0 =	seq.s32 s5, $0x0;
	s5 =	sld [smem:$0x3FAF]  }
0x2b: {  	s6 =	sld [smem:$0x3FB0]  }
0x2c: {  	s7 =	sld [smem:$0x3FB1]  }
0x2d: {  	s3 =	simm.s32 $0x108;
	s8 =	sld [smem:$0x3FB2]  }
0x2e: {  	s3 =	simm.s32 @!p0 $0x1082;
	s9 =	sld [smem:$0x3FB3]  }
0x2f: {  	lr =	sadd.s32 s0, s3;
	s0 =	sld [smem:$0x3FAA]  }
0x30: {  	s3 =	sld [smem:$0x3FAD]  }
0x31: {  	[smem:$0x3FB6] =	sst s10  }
0x32: {  	s10 =	sld [smem:$0x3FB4];
	_ =	sdelay $0x3  }
0x33: {  	p0 =	seq.s32 s10, $0x1;
	s10 =	sld [smem:$0x3FB6];
	_ =	sdelay $0x3  }
0x34: {  	[smem:$0x3FB6] =	sst s10  }
0x35: {  	s10 =	sld [smem:$0x3FB5];
	_ =	sdelay $0x3  }
0x36: {  	p1 =	seq.s32 s10, $0x1;
	s10 =	sld [smem:$0x3FB6];
	_ =	sdelay $0x3  }
0x37: {  	[smem:$0x3FB6] =	sst s10  }
0x38: {  	s10 =	sld [smem:$0x3FB7]  }
0x39: {  	_ = 	snop;
	(pc) =	sbr.ind lr, $3  }
0x3a: {  	_ = 	snop  }
0x3b: {  	_ = 	snop  }
0x3c: {  	p2 =	seq.s32 s10, $0x1;
	s10 =	sld [smem:$0x3FB6]  }
0x3d: {  	_ =	shalt  }
0x3e: {  	_ =	shalt  }
0x3f: {  	_ =	shalt  }
0x40: {  	_ =	shalt  }
0x41: {  	_ =	shalt  }
0x42: {  	_ =	shalt  }
0x43: {  	_ =	shalt  }
0x44: {  	_ =	shalt  }
0x45: {  	_ =	shalt  }
0x46: {  	_ =	shalt  }
0x47: {  	_ =	shalt  }
0x48: {  	_ =	shalt  }
0x49: {  	_ =	shalt  }
0x4a: {  	_ =	shalt  }
0x4b: {  	_ =	shalt  }
0x4c: {  	_ =	shalt  }
0x4d: {  	_ =	shalt  }
0x4e: {  	_ =	shalt  }
0x4f: {  	_ =	shalt  }
0x50: {  	_ =	shalt  }
0x51: {  	_ =	shalt  }
0x52: {  	_ =	shalt  }
0x53: {  	_ =	shalt  }
0x54: {  	_ =	shalt  }
0x55: {  	_ =	shalt  }
0x56: {  	_ =	shalt  }
0x57: {  	_ =	shalt  }
0x58: {  	_ =	shalt  }
0x59: {  	_ =	shalt  }
0x5a: {  	_ =	shalt  }
0x5b: {  	_ =	shalt  }
0x5c: {  	_ =	shalt  }
0x5d: {  	_ =	shalt  }
0x5e: {  	_ =	shalt  }
0x5f: {  	_ =	shalt  }
0x60: {  	_ =	shalt  }
0x61: {  	_ =	shalt  }
0x62: {  	_ =	shalt  }
0x63: {  	_ =	shalt  }
0x64: {  	_ =	shalt  }
0x65: {  	_ =	shalt  }
0x66: {  	_ =	shalt  }
0x67: {  	_ =	shalt  }
0x68: {  	_ =	shalt  }
0x69: {  	_ =	shalt  }
0x6a: {  	_ =	shalt  }
0x6b: {  	_ =	shalt  }
0x6c: {  	_ =	shalt  }
0x6d: {  	_ =	shalt  }
0x6e: {  	_ =	shalt  }
0x6f: {  	_ =	shalt  }
0x70: {  	_ =	shalt  }
0x71: {  	_ =	shalt  }
0x72: {  	_ =	shalt  }
0x73: {  	_ =	shalt  }
0x74: {  	_ =	shalt  }
0x75: {  	_ =	shalt  }
0x76: {  	_ =	shalt  }
0x77: {  	_ =	shalt  }
0x78: {  	_ =	shalt  }
0x79: {  	_ =	shalt  }
0x7a: {  	_ =	shalt  }
0x7b: {  	_ =	shalt  }
0x7c: {  	_ =	shalt  }
0x7d: {  	_ =	shalt  }
0x7e: {  	_ =	shalt  }
0x7f: {  	_ =	shalt  }
0x80: {  	_ =	shalt  }
0x81: {  	_ =	shalt  }
0x82: {  	_ =	shalt  }
0x83: {  	_ =	shalt  }
0x84: {  	_ =	shalt  }
0x85: {  	_ =	shalt  }
0x86: {  	_ =	shalt  }
0x87: {  	_ =	shalt  }
.Lfunc_end0:
.L_simem_size_0:
called_computation_lowered:
.L_overlay_start_0:
0x88: {  	s2 =	sld [smem:$0x3FD9]  }
0x89: {  	s3 =	sld [smem:$0x3FFE];
	_ =	sdelay $0x1  }
0x8a: {  	s1 =	srdreg.scid  }
0x8b: {  	s0 =	sand.u32 $0x1, s1  }
0x8c: {  	s17 =	sshll.u32 s0, $0xA;
	s2 =	sadd.s32 s3, s2  }
0x8d: {  	s2 =	sadd.s32 s2, s17  }
0x8e: {  	[smem:$0x3FC2] =	sst s2  }
0x8f: {  	_ = 	snop  }
0x90: {  	s2 =	sld [smem:$0x3FC9]  }
0x91: {  	s18 =	sld [smem:$0x3FC8];
	(tm) =	ssettm $0x1  }
0x92: {  	s4 =	sld [smem:$0x3FFB];
	_ =	sdelay $0x3  }
0x93: {  	_ =	strace s4  }
0x94: {  	s4 =	sld [smem:$0x3FFC];
	_ =	sdelay $0x3  }
0x95: {  	_ =	strace s4  }
0x96: {  	s4 =	sld [smem:$0x3FFD];
	_ =	sdelay $0x3  }
0x97: {  	_ =	strace s4  }
0x98: {  	_ =	strace $0x8FFFFFFF  }
0x99: {  	s19 =	sld [smem:$0x3FDB];
	_ =	sdelay $0x1  }
0x9a: {  	s5 =	simm.s32 $_scs_section_size  }
0x9b: {  	s6 =	simm.s32 $_size__tile_overlayer_lowered;
	s7 =	simm.s32 $_tile_overlayer_lowered  }
0x9c: {  	s22 =	simm.s32 $0x1BFF;
	s21 =	sshll.u32 s7, $0x1;
	s4 =	sadd.s32 s5, s19  }
0x9d: {  	s8 =	simm.s32 $0x0;
	s20 =	sshll.u32 s6, $0x1;
	s6 =	sadd.s32 s21, s4  }
0x9e: {  	[timem:s8], [sflag:s22] =	dma.local [hbm:s6], s20  }
0x9f: {  	_ =	swait.ge [sflag:s22], s20  }
0xa0: {  	s5 =	ssub.s32 $0x0, s20;
	[sflag:s22] =	ssyncset.done $0x0  }
0xa1: {  	[sflag:s22] =	ssyncadd.s32 s5;
	_ =	sdelay $0x1  }
0xa2: {  	s23 =	simm.s32 $0x1B8B  }
0xa3: {  	_ =	swait.ge [sflag:s23], $0x1  }
0xa4: {  	[sflag:s23] =	ssyncset.done $0x0  }
0xa5: {  	s25 =	simm.s32 $0x1B8E;
	s24 =	sld [smem:$0x3FFE];
	[sflag:s23] =	ssyncadd.s32 $0xFFFFFFFF  }
0xa6: {  	s26 =	simm.s32 $execute0_lowered;
	[smem:$0x3FD2] =	sst s25  }
0xa7: {  	s6 =	sshll.u32 s26, $0x1;
	_ =	strace $0x80000046;
	[dreg:$0x1] =	wrdreg $0xFFFFFFFF  }
0xa8: {  	s28 =	simm.s32 $_size_execute0_lowered;
	s4 =	sadd.s32 s4, s6;
	[dreg:$0x0] =	wrdreg $0x0  }
0xa9: {  	s6 =	sshll.u32 s28, $0x1;
	[dreg:$0x2] =	wrdreg s4  }
0xaa: {  	[dreg:$0x3] =	wrdreg s6  }
0xab: {  	[dreg:$0x4] =	wrdreg $0xC0  }
0xac: {  	_ =	task [dreg:s8], $0x5FFFF  }
0xad: {  	[dreg:$0x1] =	wrdreg $0xFFFFFFFF  }
0xae: {  	[dreg:$0x0] =	wrdreg $0x60  }
0xaf: {  	[dreg:$0x2] =	wrdreg s2  }
0xb0: {  	[dreg:$0x3] =	wrdreg s18  }
0xb1: {  	[dreg:$0x4] =	wrdreg s24  }
0xb2: {  	[dreg:$0x5] =	wrdreg $0x9  }
0xb3: {  	_ =	task.clear_ibuf [dreg:s8], $0x6FFFF;
	_ =	strace $0x90000046  }
0xb4: {  	s29 =	simm.s32 $0x9;
	_ =	strace $0x80000048  }
0xb5: {  	_ =	swait.ge [sflag:s29], $0x1  }
0xb6: {  	[sflag:s29] =	ssyncadd.s32 $0xFFFFFFFF  }
0xb7: {  	_ =	strace $0x90000048  }
0xb8: {  	_ =	sfence  }
0xb9: {  	s30 =	sld [smem:$0x0];
	_ =	sdelay $0x2  }
0xba: {  	s31 =	sshll.u32 s1, $0xD;
	s1 =	sshrl.u32 s1, $0x2  }
0xbb: {  	s3 =	sand.u32 $0x4000, s31;
	s1 =	sadd.s32 s1, s30  }
0xbc: {  	s0 =	sor.u32 s3, s0;
	s1 =	sshll.u32 s1, $0x11  }
0xbd: {  	s0 =	sor.u32 s1, s0  }
0xbe: {  	s0 =	sadd.s32 $0x8F2B, s0  }
0xbf: {  	[sflag:s0] =	ssyncadd.remote.s32 $0x1  }
0xc0: {  	_ =	sfence.sel $0xFFFF  }
0xc1: {  	[dreg:$0x0] =	wrdreg $0xFFFFFFFF;
	(pc) =	sbr.abs _section_cstart, $3  }
0xc2: {  	[dreg:$0x1] =	wrdreg $0xFFFFFFFF  }
0xc3: {  	_ =	task.clear_ibuf [dreg:s8], $0x2FFFF;
	_ =	strace $0x9FFFFFFF  }
0xc4: {  	(tm) =	ssettm $0x7FFFFFFF  }
0xc5: {  	_ =	shalt  }
tec
execute0_lowered:
.L_overlay_start_1:
0x0: {  	(tag) =	ssettag $0x1  }
0x1: {  	s1 =	rddreg [dreg:$0x0];
	s2 =	srdreg.scid  }
0x2: {  	s3 =	rddreg [dreg:$0x1];
	s0 =	stileid.u32  }
0x3: {  	s7 =	rddreg [dreg:$0x2];
	s9 =	simm.s32 $0x80;
	s10 =	simm.s32 $0x4000  }
0x4: {  	s11 =	simm.s32 $0x4400;
	s12 =	simm.s32 $0x0;
	s6 =	sand.u32 $0x1, s2  }
0x5: {  	s4 =	sshll.u32 s0, $0x6;
	s2 =	rddreg [dreg:$0x3];
	s5 =	sshll.u32 s6, $0x5  }
0x6: {  	s6 =	ssub.s32 $0x2, s6;
	s4 =	sor.u32 s5, s4;
	s5 =	simm.s32 $0x0  }
0x7: {  	s31 =	sshrl.u32 s6, $0x1;
	s8 =	sshll.u32 s4, $0x4;
	[smem:$0x7FF] =	sst s5  }
0x8: {  	s7 =	sadd.s32 s8, s7;
	_ =	strace $0x80000047;
	s8 =	ssub.s32 s6, s31  }
0x9: {  	v0 =	vimm.f32 $0.0e+00;
	s6 =	sadd.s32 $0xE00, s7;
	s7 =	smax.u32 s8, $0x1;
	s8 =	simm.s32 $0x1  }
.LBB2_1:
0xa: {  	s13 =	simm.s32 $0x0;
	s14 =	simm.s32 $0x200  }
.LBB2_2:
0xb: {  	p0 =	sne.s32 s14, $0x3E00;
	[tilespmem:s13+$0x4470] =	vst v0  }
0xc: {  	[tilespmem:s13+$0x4400] =	vst v0  }
0xd: {  	[tilespmem:s13+$0x4410] =	vst v0  }
.Ltmp0:
0xe: {  	[tilespmem:s13+$0x4420] =	vst v0;
	(pc) =	sbr.rel @p0 .LBB2_2-.Ltmp0, $4  }
0xf: {  	[tilespmem:s13+$0x4430] =	vst v0  }
0x10: {  	[tilespmem:s13+$0x4440] =	vst v0  }
0x11: {  	[tilespmem:s13+$0x4450] =	vst v0  }
0x12: {  	[tilespmem:s13+$0x4460] =	vst v0;
	s13 =	sshra.s32 s14, $0x2;
	s14 =	sadd.s32 $0x200, s14  }
0x13: {  	[tilespmem:s13+$0x4470] =	vst v0  }
0x14: {  	[tilespmem:s13+$0x4400] =	vst v0  }
0x15: {  	[tilespmem:s13+$0x4410] =	vst v0  }
0x16: {  	[tilespmem:s13+$0x4420] =	vst v0  }
0x17: {  	[tilespmem:s13+$0x4430] =	vst v0  }
0x18: {  	[tilespmem:s13+$0x4440] =	vst v0  }
0x19: {  	[tilespmem:s13+$0x4450] =	vst v0  }
0x1a: {  	[tilespmem:s13+$0x4460] =	vst v0;
	s13 =	simm.s32 $0x0;
	s14 =	simm.s32 $0x4000;
	s15 =	simm.s32 $0x0  }
.LBB2_4:
0x1b: {  	s16 =	sshll.u32 s15, $0xB  }
0x1c: {  	s16 =	sadd.s32 s3, s16  }
0x1d: {  	[tilespmem:s13], [sflag:$0x1] =	stream.linear.gather [hbm4b:s16+s13], $0x4000, $0x38;
	[tilespmem:$0x5400] =	vst v63  }
0x1e: {  	_ =	swait.ge [sflag:s8], $0x4000  }
0x1f: {  	v0 =	vmov s14;
	[sflag:s8] =	ssyncset.done $0x0  }
0x20: {  	s16 =	simm.s32 $0x0;
	[tilespmem:$0x1FFF0] =	vst v0;
	[sflag:s8] =	ssyncadd.s32 $0xFFFFC000  }
.LBB2_5:
0x21: {  	s17 =	sadd.s32 s4, s16;
	s18 =	sshll.u32 s16, $0x4  }
0x22: {  	s17 =	sshll.u32 s17, $0x7;
	s18 =	sand.u32 $0x70, s18  }
0x23: {  	s17 =	sand.u32 $0x1FC00, s17;
	s18 =	sadd.s32 s1, s18  }
0x24: {  	s17 =	sadd.s32 s17, s18;
	s18 =	simm.s32 $0x400  }
0x25: {  	[tilespmem:s10], [sflag:$0x1] =	stream.strided.gather [hbm4b:s17+s9], $0x400, s18, s9, $0x38;
	[tilespmem:$0x5400] =	vst v63  }
0x26: {  	_ =	swait.ge [sflag:s8], $0x400  }
0x27: {  	s31 =	sshll.u32 s16, $0x7;
	[sflag:s8] =	ssyncset.done $0x0  }
0x28: {  	s17 =	sand.u32 $0x3FFFFF80, s31;
	[sflag:s8] =	ssyncadd.s32 $0xFFFFFC00  }
0x29: {  	v1 =	vld [tilespmem:s17+$0x4440];
	_ =	sdelay $0x4  }
0x2a: {  	[tilespmem:$0x1FE50] =	vst v1;
	v1 =	vld [tilespmem:s17+$0x4450];
	_ =	sdelay $0x4  }
0x2b: {  	[tilespmem:$0x1FE60] =	vst v1;
	v1 =	vld [tilespmem:s17+$0x4460];
	_ =	sdelay $0x4  }
0x2c: {  	[tilespmem:$0x1FE70] =	vst v1;
	v1 =	vld [tilespmem:s17+$0x4470];
	_ =	sdelay $0x2  }
0x2d: {  	s19 =	simm.s32 $0x0  }
0x2e: {  	v0 =	vld.idx.msk [tilespmem:v0+s19+$0x0 ss:$0x1], $0xffff  }
0x2f: {  	[tilespmem:$0x1FE80] =	vst v1;
	v1 =	vld [tilespmem:s18+$0x130];
	_ =	sdelay $0x3  }
0x30: {  	v30 =	vcvt.s32.f32 v0;
	v0 =	vld [tilespmem:s18+$0xA0]  }
0x31: {  	[tilespmem:$0x1FF30] =	vst v1;
	v1 =	vld [tilespmem:s18+$0x140];
	_ =	sdelay $0x3  }
0x32: {  	[tilespmem:$0x1FF90] =	vst v0;
	v0 =	vld [tilespmem:s18+$0xB0]  }
0x33: {  	[tilespmem:$0x1FF40] =	vst v1;
	v1 =	vld [tilespmem:s18+$0x150];
	_ =	sdelay $0x1  }
0x34: {  	v16 =	vld [tilespmem:s17+$0x4400]  }
0x35: {  	v17 =	vld [tilespmem:s17+$0x4410]  }
0x36: {  	[tilespmem:$0x1FFA0] =	vst v0;
	v0 =	vld [tilespmem:s18+$0xC0]  }
0x37: {  	[tilespmem:$0x1FF50] =	vst v1;
	v1 =	vld [tilespmem:s18+$0x80]  }
0x38: {  	v19 =	vld [tilespmem:s17+$0x4420]  }
0x39: {  	v20 =	vld [tilespmem:s17+$0x4430]  }
0x3a: {  	v33 =	vld [tilespmem:s18+$0x390]  }
0x3b: {  	[tilespmem:$0x1FFB0] =	vst v0;
	v0 =	vld [tilespmem:s18+$0xD0]  }
0x3c: {  	v53 =	vbroadcast v30, $0xE;
	[tilespmem:$0x1FF70] =	vst v1;
	v1 =	vld [tilespmem:s18+$0x90]  }
0x3d: {  	v37 =	vld [tilespmem:s18+$0x3A0];
	v2 =	vbroadcast v30, $0xF;
	v5 =	vbroadcast v30, $0xC  }
0x3e: {  	v34 =	vld [tilespmem:s18+$0xFFFFFC00];
	v4 =	vbroadcast v30, $0xD;
	v9 =	vbroadcast v30, $0xA  }
0x3f: {  	v6 =	vld [tilespmem:s18+$0xFFFFFC30];
	v8 =	vbroadcast v30, $0xB;
	v13 =	vbroadcast v30, $0x8  }
0x40: {  	v10 =	vbroadcast v30, $0x9;
	v21 =	vbroadcast v30, $0x6;
	[tilespmem:$0x1FFD0] =	vst v0;
	v0 =	vld [tilespmem:s18+$0xFFFFFC10]  }
0x41: {  	v18 =	vbroadcast v30, $0x7;
	v23 =	vbroadcast v30, $0x4;
	[tilespmem:$0x1FF80] =	vst v1;
	v1 =	vld [tilespmem:s18+$0xFFFFFC20]  }
0x42: {  	v7 =	vld [tilespmem:s18+$0xFFFFFC80];
	v22 =	vbroadcast v30, $0x5;
	v31 =	vbroadcast v30, $0x0  }
0x43: {  	v40 =	vld [tilespmem:s18+$0x3B0];
	v27 =	vbroadcast v30, $0x2;
	v26 =	vbroadcast v30, $0x3  }
0x44: {  	v41 =	vld [tilespmem:s18+$0x3C0];
	v30 =	vbroadcast v30, $0x1;
	v34 =	vmul.f32 v31, v34  }
0x45: {  	v42 =	vld [tilespmem:s18+$0x3D0];
	v14 =	vmul.f32 v33, v2;
	v0 =	vmul.f32 v0, v31  }
0x46: {  	v11 =	vld [tilespmem:s18+$0xFFFFFC90];
	v6 =	vmul.f32 v6, v31;
	v1 =	vmul.f32 v1, v31  }
0x47: {  	v12 =	vld [tilespmem:s18+$0xFFFFFCA0];
	v7 =	vmul.f32 v7, v30;
	v0 =	vadd.f32 v0, v17;
	v17 =	vmul.f32 v37, v2  }
0x48: {  	v16 =	vadd.f32 v34, v16;
	[tilespmem:$0x1FE90] =	vst v14;
	v14 =	vld [tilespmem:s18+$0xFFFFFCB0];
	v1 =	vadd.f32 v1, v19;
	v19 =	vmul.f32 v40, v2  }
0x49: {  	v6 =	vadd.f32 v6, v20;
	v20 =	vmul.f32 v41, v2;
	[tilespmem:$0x1FEA0] =	vst v17;
	v17 =	vld [tilespmem:s18+$0xFFFFFD00]  }
0x4a: {  	v7 =	vadd.f32 v7, v16;
	v16 =	vmul.f32 v42, v2;
	[tilespmem:$0x1FEB0] =	vst v19;
	v19 =	vld [tilespmem:s18+$0xFFFFFD10]  }
0x4b: {  	v11 =	vmul.f32 v11, v30;
	[tilespmem:$0x1FEC0] =	vst v20;
	v20 =	vld [tilespmem:s18+$0xFFFFFD20]  }
0x4c: {  	v12 =	vmul.f32 v12, v30;
	[tilespmem:$0x1FED0] =	vst v16;
	v16 =	vld [tilespmem:s18+$0xFFFFFD30]  }
0x4d: {  	v0 =	vadd.f32 v11, v0;
	v11 =	vmul.f32 v14, v30  }
0x4e: {  	v1 =	vadd.f32 v12, v1;
	v12 =	vmul.f32 v17, v27;
	v17 =	vld [tilespmem:s18+$0xFFFFFD90]  }
0x4f: {  	v14 =	vld [tilespmem:s18+$0xFFFFFD80];
	v6 =	vadd.f32 v11, v6;
	v11 =	vmul.f32 v19, v27  }
0x50: {  	v7 =	vadd.f32 v12, v7;
	v12 =	vmul.f32 v20, v27;
	v20 =	vld [tilespmem:s18+$0xFFFFFDB0]  }
0x51: {  	v19 =	vld [tilespmem:s18+$0xFFFFFDA0];
	v0 =	vadd.f32 v11, v0;
	v11 =	vmul.f32 v16, v27  }
0x52: {  	v60 =	vld [tilespmem:s18+$0x2C0]  }
0x53: {  	v16 =	vld [tilespmem:s18+$0xFFFFFE00];
	v6 =	vadd.f32 v11, v6;
	v11 =	vmul.f32 v17, v26  }
0x54: {  	v1 =	vadd.f32 v12, v1;
	v12 =	vmul.f32 v14, v26;
	v14 =	vld [tilespmem:s18+$0xFFFFFE10]  }
0x55: {  	v61 =	vld [tilespmem:s18+$0x2D0];
	v0 =	vadd.f32 v11, v0;
	v11 =	vmul.f32 v20, v26  }
0x56: {  	v7 =	vadd.f32 v12, v7;
	v12 =	vmul.f32 v19, v26;
	v19 =	vld [tilespmem:s18+$0xFFFFFE30]  }
0x57: {  	v17 =	vld [tilespmem:s18+$0xFFFFFE20];
	v6 =	vadd.f32 v11, v6;
	v11 =	vmul.f32 v60, v4  }
0x58: {  	v1 =	vadd.f32 v12, v1;
	v12 =	vmul.f32 v16, v23;
	v16 =	vld [tilespmem:s18+$0xFFFFFE90]  }
0x59: {  	v20 =	vld [tilespmem:s18+$0xFFFFFE80];
	[tilespmem:$0x1FEF0] =	vst v11;
	v11 =	vmul.f32 v14, v23  }
0x5a: {  	v24 =	vld [tilespmem:s18+$0x240];
	v7 =	vadd.f32 v12, v7;
	v12 =	vmul.f32 v61, v4  }
0x5b: {  	v14 =	vld [tilespmem:s18+$0xFFFFFEA0];
	v0 =	vadd.f32 v11, v0;
	v11 =	vmul.f32 v19, v23  }
0x5c: {  	[tilespmem:$0x1FF00] =	vst v12;
	v12 =	vmul.f32 v17, v23;
	v17 =	vld [tilespmem:s18+$0xFFFFFEB0]  }
0x5d: {  	v6 =	vadd.f32 v11, v6;
	v11 =	vmul.f32 v16, v22  }
0x5e: {  	v1 =	vadd.f32 v12, v1;
	v12 =	vmul.f32 v20, v22;
	v20 =	vld [tilespmem:s18+$0xFFFFFF10]  }
0x5f: {  	v0 =	vadd.f32 v11, v0;
	v11 =	vmul.f32 v24, v5  }
0x60: {  	v7 =	vadd.f32 v12, v7;
	v12 =	vmul.f32 v14, v22;
	v14 =	vld [tilespmem:s18+$0xFFFFFF30]  }
0x61: {  	[tilespmem:$0x1FF10] =	vst v11;
	v11 =	vmul.f32 v17, v22  }
0x62: {  	v17 =	vld [tilespmem:s18+$0xFFFFFF90]  }
0x63: {  	v43 =	vld [tilespmem:s18+$0x300];
	v6 =	vadd.f32 v11, v6;
	v11 =	vmul.f32 v20, v21  }
0x64: {  	v52 =	vld [tilespmem:s18+$0x330]  }
0x65: {  	v3 =	vld [tilespmem:s18+$0x340];
	v0 =	vadd.f32 v11, v0;
	v11 =	vmul.f32 v14, v21  }
0x66: {  	v54 =	vld [tilespmem:s18+$0x350]  }
0x67: {  	v50 =	vld [tilespmem:s18+$0x180];
	v6 =	vadd.f32 v11, v6;
	v11 =	vmul.f32 v17, v18  }
0x68: {  	v48 =	vld [tilespmem:s18+$0x0]  }
0x69: {  	v0 =	vadd.f32 v11, v0;
	v11 =	vld [tilespmem:$0x1FF30];
	_ =	sdelay $0x1  }
0x6a: {  	v15 =	vld [tilespmem:s18+$0x220];
	v28 =	vmul.f32 v43, v53  }
0x6b: {  	v29 =	vld [tilespmem:s18+$0x250];
	v43 =	vmul.f32 v52, v53;
	v52 =	vmul.f32 v3, v53  }
0x6c: {  	v45 =	vld [tilespmem:s18+$0x110];
	v3 =	vmul.f32 v54, v53;
	v54 =	vmul.f32 v50, v8  }
0x6d: {  	v50 =	vmul.f32 v48, v13;
	v48 =	vmul.f32 v11, v9;
	v11 =	vld [tilespmem:$0x1FF40]  }
0x6e: {  	v19 =	vld [tilespmem:s18+$0xFFFFFF00]  }
0x6f: {  	v32 =	vld [tilespmem:s18+$0x380]  }
0x70: {  	[tilespmem:$0x1FEE0] =	vst v3;
	v3 =	vmul.f32 v15, v5;
	v15 =	vld [tilespmem:s18+$0xFFFFFF20]  }
0x71: {  	v16 =	vld [tilespmem:s18+$0xFFFFFF80];
	v1 =	vadd.f32 v12, v1;
	v12 =	vmul.f32 v29, v5  }
0x72: {  	v29 =	vmul.f32 v45, v9;
	v45 =	vmul.f32 v11, v9;
	v11 =	vld [tilespmem:$0x1FF50]  }
0x73: {  	v46 =	vld [tilespmem:s18+$0x310];
	[tilespmem:$0x1FF20] =	vst v12;
	v12 =	vmul.f32 v19, v21  }
0x74: {  	v51 =	vld [tilespmem:s18+$0x320]  }
0x75: {  	v19 =	vld [tilespmem:s18+$0xFFFFFFA0];
	v7 =	vadd.f32 v12, v7;
	v12 =	vmul.f32 v15, v21  }
0x76: {  	v55 =	vld [tilespmem:s18+$0x280]  }
0x77: {  	v1 =	vadd.f32 v12, v1;
	v12 =	vmul.f32 v16, v18;
	v16 =	vld [tilespmem:s18+$0x20];
	v11 =	vmul.f32 v11, v9  }
0x78: {  	v15 =	vld [tilespmem:s18+$0xFFFFFFB0]  }
0x79: {  	[tilespmem:$0x1FF60] =	vst v11;
	v11 =	vld [tilespmem:$0x1FF70]  }
0x7a: {  	v14 =	vld [tilespmem:s18+$0x10];
	v7 =	vadd.f32 v12, v7;
	v12 =	vmul.f32 v19, v18  }
0x7b: {  	v56 =	vld [tilespmem:s18+$0x290]  }
0x7c: {  	v17 =	vld [tilespmem:s18+$0x30];
	v1 =	vadd.f32 v12, v1;
	v16 =	vmul.f32 v16, v13  }
0x7d: {  	v58 =	vld [tilespmem:s18+$0x2A0]  }
0x7e: {  	v1 =	vadd.f32 v16, v1;
	v16 =	vmul.f32 v11, v10;
	v11 =	vld [tilespmem:$0x1FF80]  }
0x7f: {  	v59 =	vld [tilespmem:s18+$0x2B0];
	v15 =	vmul.f32 v15, v18;
	v14 =	vmul.f32 v14, v13  }
0x80: {  	v62 =	vld [tilespmem:s18+$0x200]  }
0x81: {  	v47 =	vld [tilespmem:s18+$0x100];
	v6 =	vadd.f32 v15, v6;
	v0 =	vadd.f32 v14, v0;
	v14 =	vmul.f32 v17, v13  }
0x82: {  	v44 =	vld [tilespmem:s18+$0x120]  }
0x83: {  	v6 =	vadd.f32 v14, v6;
	v14 =	vmul.f32 v11, v10;
	v11 =	vld [tilespmem:$0x1FF90]  }
0x84: {  	v63 =	vld [tilespmem:s18+$0x210]  }
0x85: {  	v57 =	vld [tilespmem:s18+$0x230]  }
0x86: {  	v49 =	vld [tilespmem:s18+$0x190]  }
0x87: {  	v36 =	vld [tilespmem:s18+$0x1B0];
	v24 =	vmul.f32 v47, v9  }
0x88: {  	v47 =	vmul.f32 v44, v9;
	v44 =	vmul.f32 v11, v10;
	v11 =	vld [tilespmem:$0x1FFA0]  }
0x89: {  	v35 =	vld [tilespmem:s18+$0x1A0]  }
0x8a: {  	v38 =	vld [tilespmem:s18+$0x1C0]  }
0x8b: {  	v39 =	vld [tilespmem:s18+$0x1D0];
	v25 =	vmul.f32 v32, v2  }
0x8c: {  	v32 =	vmul.f32 v62, v5;
	v62 =	vmul.f32 v36, v8;
	v36 =	vld [tilespmem:s18+$0xFFFFFFD0]  }
0x8d: {  	v33 =	vmul.f32 v55, v4;
	v55 =	vmul.f32 v11, v10;
	v11 =	vld [tilespmem:$0x1FFB0]  }
0x8e: {  	v41 =	vmul.f32 v59, v4;
	v59 =	vmul.f32 v49, v8;
	v49 =	vld [tilespmem:s18+$0xFFFFFEC0]  }
0x8f: {  	v60 =	vmul.f32 v35, v8;
	v35 =	vld [tilespmem:s18+$0xFFFFFF50]  }
0x90: {  	v61 =	vld [tilespmem:s18+$0xFFFFFFC0]  }
0x91: {  	v20 =	vld [tilespmem:s18+$0x50]  }
0x92: {  	v38 =	vmul.f32 v38, v8;
	v19 =	vld [tilespmem:s18+$0x40];
	v11 =	vmul.f32 v11, v10  }
0x93: {  	v39 =	vmul.f32 v39, v8;
	v34 =	vmul.f32 v46, v53;
	v12 =	vld [tilespmem:s18+$0xFFFFFE40]  }
0x94: {  	v46 =	vmul.f32 v63, v5;
	v42 =	vmul.f32 v51, v53;
	[tilespmem:$0x1FFC0] =	vst v11;
	v11 =	vadd.f32 v14, v0;
	v0 =	vld [tilespmem:$0x1FFD0]  }
0x95: {  	v51 =	vmul.f32 v57, v5;
	v63 =	vmul.f32 v36, v18;
	v7 =	vadd.f32 v50, v7;
	v50 =	vld [tilespmem:s18+$0xFFFFFED0]  }
0x96: {  	v49 =	vmul.f32 v49, v22;
	v37 =	vmul.f32 v56, v4;
	v15 =	vld [tilespmem:s18+$0xFFFFFF40]  }
0x97: {  	v40 =	vmul.f32 v58, v4;
	v17 =	vld [tilespmem:s18+$0xFFFFFE50];
	v57 =	vmul.f32 v19, v13  }
0x98: {  	v7 =	vadd.f32 v16, v7;
	v16 =	vld [tilespmem:s18+$0xFFFFFDC0];
	v19 =	vadd.f32 v44, v1;
	v44 =	vmul.f32 v20, v13  }
0x99: {  	v20 =	vadd.f32 v55, v6;
	v6 =	vmul.f32 v12, v23;
	v12 =	vld [tilespmem:s18+$0xFFFFFD50];
	v0 =	vmul.f32 v0, v10  }
0x9a: {  	v61 =	vmul.f32 v61, v18;
	v50 =	vmul.f32 v50, v22;
	v7 =	vadd.f32 v24, v7;
	v14 =	vld [tilespmem:s18+$0xFFFFFD40]  }
0x9b: {  	s19 =	simm.s32 $0x40;
	v1 =	vmul.f32 v35, v21;
	v11 =	vadd.f32 v29, v11;
	[tilespmem:$0x1FFE0] =	vst v0;
	v0 =	vmul.f32 v15, v21;
	v15 =	vld [tilespmem:s18+$0xFFFFFDD0]  }
.LBB2_6:
0x9c: {  	_ = 	snop  }
0x9d: {  	v7 =	vadd.f32 v54, v7;
	_ =	sdelay $0x1  }
0x9e: {  	v7 =	vadd.f32 v32, v7  }
0x9f: {  	v19 =	vadd.f32 v47, v19  }
0xa0: {  	v7 =	vadd.f32 v33, v7  }
0xa1: {  	v19 =	vadd.f32 v60, v19  }
0xa2: {  	v7 =	vadd.f32 v28, v7  }
0xa3: {  	v19 =	vadd.f32 v3, v19  }
0xa4: {  	v7 =	vadd.f32 v25, v7;
	v25 =	vld [tilespmem:$0x1FEA0]  }
0xa5: {  	v19 =	vadd.f32 v40, v19  }
0xa6: {  	v24 =	vld [tilespmem:s18+$0xFFFFFCC0];
	v20 =	vadd.f32 v48, v20  }
0xa7: {  	v36 =	vld [tilespmem:s18+$0xFFFFFCD0];
	v19 =	vadd.f32 v42, v19  }
0xa8: {  	v58 =	vld [tilespmem:s18+$0xFFFFFC50];
	v20 =	vadd.f32 v62, v20  }
0xa9: {  	v35 =	vld [tilespmem:s18+$0xFFFFFC60];
	v19 =	vadd.f32 v25, v19  }
0xaa: {  	v55 =	vld [tilespmem:s18+$0xFFFFFC70];
	v20 =	vadd.f32 v51, v20  }
0xab: {  	[tilespmem:$0x1FD70] =	vst v19;
	v19 =	vld [tilespmem:$0x1FEB0]  }
0xac: {  	v56 =	vld [tilespmem:s18+$0xFFFFFCF0];
	v11 =	vadd.f32 v59, v11;
	v20 =	vadd.f32 v41, v20  }
0xad: {  	v48 =	vld [tilespmem:s18+$0xFFFFFC40]  }
0xae: {  	v11 =	vadd.f32 v46, v11;
	v20 =	vadd.f32 v43, v20;
	v25 =	vld [tilespmem:$0x1FE70]  }
0xaf: {  	[tilespmem:$0x1FD50] =	vst v7;
	v7 =	vld [tilespmem:$0x1FE90]  }
0xb0: {  	v11 =	vadd.f32 v37, v11;
	v19 =	vadd.f32 v19, v20;
	v20 =	vld [tilespmem:$0x1FE60]  }
0xb1: {  	v37 =	vld [tilespmem:s18+$0xFFFFFCE0];
	v60 =	vmul.f32 v35, v31  }
0xb2: {  	v17 =	vmul.f32 v17, v23;
	v11 =	vadd.f32 v34, v11;
	[tilespmem:$0x1FD80] =	vst v19;
	v19 =	vld [tilespmem:$0x1FE50]  }
0xb3: {  	v16 =	vmul.f32 v16, v26;
	v58 =	vmul.f32 v58, v31;
	v54 =	vadd.f32 v60, v25;
	v25 =	vld [tilespmem:$0x1FE80]  }
0xb4: {  	v59 =	vld [tilespmem:s18+$0xFFFFFD60];
	v15 =	vmul.f32 v15, v26;
	v12 =	vmul.f32 v12, v27;
	v7 =	vadd.f32 v7, v11  }
0xb5: {  	v62 =	vld [tilespmem:s18+$0xFFFFFD70];
	v36 =	vmul.f32 v36, v30;
	v48 =	vmul.f32 v48, v31;
	v20 =	vadd.f32 v58, v20  }
0xb6: {  	v11 =	vld [tilespmem:s18+$0xFFFFFDE0];
	[tilespmem:$0x1FD60] =	vst v7;
	v7 =	vmul.f32 v55, v31;
	v31 =	vmul.f32 v37, v30  }
0xb7: {  	v24 =	vmul.f32 v24, v30;
	v19 =	vadd.f32 v48, v19;
	v48 =	vld [tilespmem:s18+$0xFFFFFDF0];
	v20 =	vadd.f32 v36, v20  }
0xb8: {  	v30 =	vmul.f32 v56, v30;
	v55 =	vld [tilespmem:s18+$0xFFFFFE60];
	v31 =	vadd.f32 v31, v54;
	v7 =	vadd.f32 v7, v25  }
0xb9: {  	v14 =	vmul.f32 v14, v27;
	v56 =	vld [tilespmem:s18+$0xFFFFFE70];
	v19 =	vadd.f32 v24, v19;
	v12 =	vadd.f32 v12, v20  }
0xba: {  	v7 =	vadd.f32 v30, v7;
	v24 =	vmul.f32 v59, v27;
	v27 =	vmul.f32 v62, v27  }
0xbb: {  	v11 =	vmul.f32 v11, v26;
	v14 =	vadd.f32 v14, v19;
	v19 =	vld [tilespmem:s18+$0xFFFFFEF0];
	v12 =	vadd.f32 v15, v12  }
0xbc: {  	v30 =	vld [tilespmem:s18+$0xFFFFFEE0];
	v20 =	vadd.f32 v24, v31;
	v7 =	vadd.f32 v27, v7;
	v24 =	vmul.f32 v48, v26  }
0xbd: {  	v15 =	vmul.f32 v55, v23;
	v14 =	vadd.f32 v16, v14;
	v12 =	vadd.f32 v17, v12  }
0xbe: {  	v16 =	vld [tilespmem:s18+$0xFFFFFF70];
	v11 =	vadd.f32 v11, v20;
	v20 =	vmul.f32 v56, v23;
	v7 =	vadd.f32 v24, v7  }
0xbf: {  	v26 =	vld [tilespmem:s18+$0xFFFFFF60];
	v12 =	vadd.f32 v50, v12  }
0xc0: {  	v17 =	vld [tilespmem:s18+$0xFFFFFFF0];
	v11 =	vadd.f32 v15, v11;
	v7 =	vadd.f32 v20, v7;
	v15 =	vmul.f32 v19, v22  }
0xc1: {  	v6 =	vadd.f32 v6, v14;
	v14 =	vmul.f32 v30, v22;
	v1 =	vadd.f32 v1, v12;
	v12 =	vld [tilespmem:s18+$0xF0]  }
0xc2: {  	v7 =	vadd.f32 v15, v7;
	v15 =	vld [tilespmem:s18+$0xE0]  }
0xc3: {  	v11 =	vadd.f32 v14, v11;
	v14 =	vmul.f32 v16, v21  }
0xc4: {  	v23 =	vld [tilespmem:s18+$0xFFFFFFE0];
	v6 =	vadd.f32 v49, v6  }
0xc5: {  	v7 =	vadd.f32 v14, v7;
	v14 =	vmul.f32 v17, v18  }
0xc6: {  	v19 =	vld [tilespmem:s18+$0x60];
	v20 =	vmul.f32 v26, v21;
	v0 =	vadd.f32 v0, v6  }
0xc7: {  	v7 =	vadd.f32 v14, v7;
	v14 =	vmul.f32 v15, v10;
	v10 =	vmul.f32 v12, v10;
	v12 =	vld [tilespmem:$0x1FFC0]  }
0xc8: {  	v0 =	vadd.f32 v61, v0  }
0xc9: {  	v22 =	vld [tilespmem:s18+$0x70];
	v6 =	vmul.f32 v23, v18;
	v11 =	vadd.f32 v20, v11  }
0xca: {  	v0 =	vadd.f32 v57, v0  }
0xcb: {  	v16 =	vld [tilespmem:s18+$0x160];
	v17 =	vmul.f32 v19, v13;
	v6 =	vadd.f32 v6, v11  }
0xcc: {  	v0 =	vadd.f32 v12, v0;
	v12 =	vld [tilespmem:$0x1FFE0]  }
0xcd: {  	v1 =	vadd.f32 v63, v1;
	v18 =	vld [tilespmem:s18+$0x170];
	v6 =	vadd.f32 v17, v6  }
0xce: {  	v11 =	vmul.f32 v22, v13;
	v13 =	vld [tilespmem:s18+$0x1E0]  }
0xcf: {  	v1 =	vadd.f32 v44, v1;
	v6 =	vadd.f32 v14, v6;
	v14 =	vld [tilespmem:$0x1FF60]  }
0xd0: {  	v15 =	vld [tilespmem:s18+$0x1F0];
	v7 =	vadd.f32 v11, v7  }
0xd1: {  	v11 =	vld [tilespmem:s18+$0x260];
	v1 =	vadd.f32 v12, v1;
	v12 =	vmul.f32 v16, v9  }
0xd2: {  	v7 =	vadd.f32 v10, v7;
	v10 =	vld [tilespmem:s18+$0x2E0]  }
0xd3: {  	v13 =	vmul.f32 v13, v8;
	v16 =	vld [tilespmem:s18+$0x270];
	v6 =	vadd.f32 v12, v6  }
0xd4: {  	v9 =	vmul.f32 v18, v9;
	v1 =	vadd.f32 v14, v1;
	v14 =	vld [tilespmem:s18+$0x2F0]  }
0xd5: {  	v0 =	vadd.f32 v45, v0;
	v6 =	vadd.f32 v13, v6;
	v13 =	vld [tilespmem:$0x1FF10]  }
0xd6: {  	v8 =	vmul.f32 v15, v8;
	v11 =	vmul.f32 v11, v5;
	v7 =	vadd.f32 v9, v7  }
0xd7: {  	v0 =	vadd.f32 v38, v0;
	v12 =	vld [tilespmem:s18+$0x370]  }
0xd8: {  	v7 =	vadd.f32 v8, v7;
	v5 =	vmul.f32 v16, v5;
	v6 =	vadd.f32 v11, v6;
	v11 =	vld [tilespmem:$0x1FEF0]  }
0xd9: {  	v10 =	vmul.f32 v10, v4;
	v9 =	vld [tilespmem:s18+$0x360]  }
0xda: {  	v5 =	vadd.f32 v5, v7;
	v4 =	vmul.f32 v14, v4;
	v0 =	vadd.f32 v13, v0;
	v13 =	vld [tilespmem:$0x1FF20]  }
0xdb: {  	v8 =	vld [tilespmem:s18+$0x3E0]  }
0xdc: {  	v3 =	vmul.f32 v12, v53;
	v4 =	vadd.f32 v4, v5;
	v5 =	vld [tilespmem:$0x1FEE0]  }
0xdd: {  	v1 =	vadd.f32 v39, v1;
	v0 =	vadd.f32 v11, v0;
	v11 =	vld [tilespmem:$0x1FF00]  }
0xde: {  	v3 =	vadd.f32 v3, v4;
	v4 =	vld [tilespmem:$0x1FEC0]  }
0xdf: {  	v1 =	vadd.f32 v13, v1;
	v13 =	vld [tilespmem:s18+$0x3F0];
	s18 =	sadd.s32 $0x800, s18  }
0xe0: {  	v15 =	vld [tilespmem:s18+$0x380]  }
0xe1: {  	v7 =	vld [tilespmem:s18+$0x390]  }
0xe2: {  	v12 =	vld [tilespmem:s18+$0x3B0]  }
0xe3: {  	v14 =	vld [tilespmem:s18+$0x3C0]  }
0xe4: {  	v16 =	vld [tilespmem:s18+$0x3D0]  }
0xe5: {  	v17 =	vld [tilespmem:s18+$0x330]  }
0xe6: {  	v19 =	vld [tilespmem:s18+$0x340]  }
0xe7: {  	v20 =	vld [tilespmem:s18+$0x350]  }
0xe8: {  	v24 =	vld [tilespmem:s18+$0x280]  }
0xe9: {  	v25 =	vld [tilespmem:s18+$0x290]  }
0xea: {  	v28 =	vld [tilespmem:s18+$0x2A0]  }
0xeb: {  	v0 =	vadd.f32 v52, v0;
	v29 =	vld [tilespmem:s18+$0x2B0]  }
0xec: {  	v35 =	vld [tilespmem:s18+$0x2C0]  }
0xed: {  	v36 =	vld [tilespmem:s18+$0x2D0];
	v0 =	vadd.f32 v4, v0  }
0xee: {  	v58 =	vld [tilespmem:s18+$0x200]  }
0xef: {  	[tilespmem:$0x1FE50] =	vst v0;
	v0 =	vld [tilespmem:$0x1FED0]  }
0xf0: {  	v9 =	vmul.f32 v9, v53;
	v6 =	vadd.f32 v10, v6;
	v59 =	vld [tilespmem:s18+$0x210];
	v1 =	vadd.f32 v11, v1  }
0xf1: {  	v44 =	vld [tilespmem:s18+$0x220]  }
0xf2: {  	v6 =	vadd.f32 v9, v6;
	v45 =	vld [tilespmem:s18+$0x230];
	v1 =	vadd.f32 v5, v1;
	v5 =	vmul.f32 v8, v2  }
0xf3: {  	v47 =	vld [tilespmem:s18+$0x240]  }
0xf4: {  	v48 =	vld [tilespmem:s18+$0x250];
	v2 =	vmul.f32 v13, v2;
	v0 =	vadd.f32 v0, v1;
	v1 =	vadd.f32 v5, v6  }
0xf5: {  	v49 =	vld [tilespmem:s18+$0x180]  }
0xf6: {  	[tilespmem:$0x1FE70] =	vst v1;
	v1 =	vadd.f32 v2, v3;
	v2 =	vld [tilespmem:$0x1FFF0]  }
0xf7: {  	v50 =	vld [tilespmem:s18+$0x190]  }
0xf8: {  	v60 =	vld [tilespmem:s18+$0x1A0]  }
0xf9: {  	v61 =	vld [tilespmem:s18+$0x1B0]  }
0xfa: {  	v63 =	vld [tilespmem:s18+$0x1C0]  }
0xfb: {  	v32 =	vld [tilespmem:s18+$0x1D0]  }
0xfc: {  	v33 =	vld [tilespmem:s18+$0x100]  }
0xfd: {  	s20 =	sshra.s32 s19, $0x2;
	v34 =	vld [tilespmem:s18+$0x110]  }
0xfe: {  	v2 =	vld.idx.msk [tilespmem:v2+s20+$0x0 ss:$0x1], $0xffff  }
0xff: {  	v37 =	vld [tilespmem:s18+$0x120]  }
0x100: {  	v40 =	vld [tilespmem:s18+$0x130]  }
0x101: {  	v41 =	vld [tilespmem:s18+$0x140]  }
0x102: {  	[tilespmem:$0x1FE60] =	vst v0;
	v0 =	vld [tilespmem:s18+$0x300]  }
0x103: {  	v6 =	vld [tilespmem:s18+$0x320];
	v30 =	vcvt.s32.f32 v2  }
0x104: {  	[tilespmem:$0x1FE80] =	vst v1;
	v1 =	vld [tilespmem:s18+$0x310]  }
0x105: {  	v42 =	vld [tilespmem:s18+$0x150];
	v53 =	vbroadcast v30, $0xE  }
0x106: {  	v43 =	vld [tilespmem:s18+$0x80];
	v2 =	vbroadcast v30, $0xF  }
0x107: {  	v11 =	vld [tilespmem:s18+$0x3A0];
	v0 =	vmul.f32 v0, v53  }
0x108: {  	v46 =	vld [tilespmem:s18+$0x90];
	v5 =	vbroadcast v30, $0xC;
	v3 =	vmul.f32 v15, v2  }
0x109: {  	v51 =	vld [tilespmem:s18+$0xA0];
	[tilespmem:$0x1FDC0] =	vst v0;
	v0 =	vmul.f32 v1, v53;
	v1 =	vmul.f32 v6, v53  }
0x10a: {  	v52 =	vld [tilespmem:s18+$0xC0];
	v4 =	vbroadcast v30, $0xD;
	v7 =	vmul.f32 v7, v2;
	[tilespmem:$0x1FDB0] =	vst v3  }
0x10b: {  	v38 =	vld [tilespmem:s18+$0xFFFFFF00];
	v9 =	vbroadcast v30, $0xA;
	[tilespmem:$0x1FD90] =	vst v1;
	v1 =	vmul.f32 v20, v53  }
0x10c: {  	v39 =	vld [tilespmem:s18+$0xFFFFFF10];
	v8 =	vbroadcast v30, $0xB;
	[tilespmem:$0x1FE90] =	vst v7;
	v7 =	vmul.f32 v11, v2  }
0x10d: {  	v13 =	vbroadcast v30, $0x8;
	v15 =	vld [tilespmem:s18+$0xB0];
	[tilespmem:$0x1FEE0] =	vst v1;
	v1 =	vmul.f32 v24, v4  }
0x10e: {  	v10 =	vbroadcast v30, $0x9;
	v62 =	vmul.f32 v61, v8;
	v61 =	vld [tilespmem:s18+$0xFFFFFE80];
	[tilespmem:$0x1FEA0] =	vst v7  }
0x10f: {  	v55 =	vmul.f32 v41, v9;
	v41 =	vld [tilespmem:s18+$0xFFFFFD00];
	[tilespmem:$0x1FDF0] =	vst v1;
	v1 =	vmul.f32 v25, v4  }
0x110: {  	v11 =	vmul.f32 v17, v53;
	v17 =	vld [tilespmem:s18+$0x10];
	v7 =	vmul.f32 v12, v2;
	[tilespmem:$0x1FE10] =	vst v0  }
0x111: {  	v6 =	vmul.f32 v45, v5;
	v45 =	vld [tilespmem:s18+$0xFFFFFE10];
	[tilespmem:$0x1FDD0] =	vst v1;
	v1 =	vmul.f32 v28, v4  }
0x112: {  	v3 =	vmul.f32 v44, v5;
	v44 =	vld [tilespmem:$0x1FD50];
	[tilespmem:$0x1FEB0] =	vst v7;
	v7 =	vmul.f32 v14, v2  }
0x113: {  	v21 =	vbroadcast v30, $0x6;
	v0 =	vld [tilespmem:s18+$0x0];
	[tilespmem:$0x1FDE0] =	vst v1;
	v1 =	vmul.f32 v29, v4  }
0x114: {  	v18 =	vbroadcast v30, $0x7;
	v20 =	vld [tilespmem:s18+$0x30];
	[tilespmem:$0x1FEC0] =	vst v7;
	v7 =	vmul.f32 v16, v2  }
0x115: {  	v23 =	vbroadcast v30, $0x4;
	v24 =	vld [tilespmem:s18+$0x40];
	[tilespmem:$0x1FDA0] =	vst v1;
	v1 =	vmul.f32 v35, v4  }
0x116: {  	v22 =	vbroadcast v30, $0x5;
	v14 =	vmul.f32 v46, v10;
	v46 =	vld [tilespmem:s18+$0xFFFFFCA0];
	[tilespmem:$0x1FED0] =	vst v7  }
0x117: {  	v7 =	vmul.f32 v19, v53;
	v19 =	vld [tilespmem:s18+$0x20];
	[tilespmem:$0x1FEF0] =	vst v1;
	v1 =	vmul.f32 v36, v4  }
0x118: {  	v31 =	vbroadcast v30, $0x0;
	v54 =	vmul.f32 v49, v8;
	v29 =	vld [tilespmem:s18+$0x50]  }
0x119: {  	v12 =	vmul.f32 v15, v10;
	v16 =	vld [tilespmem:s18+$0xD0];
	[tilespmem:$0x1FF00] =	vst v1;
	v1 =	vmul.f32 v58, v5  }
0x11a: {  	v25 =	vmul.f32 v63, v8;
	v63 =	vld [tilespmem:s18+$0xFFFFFD10];
	v15 =	vmul.f32 v20, v13  }
0x11b: {  	v28 =	vmul.f32 v32, v8;
	v35 =	vld [tilespmem:s18+$0xFFFFFF80];
	[tilespmem:$0x1FE30] =	vst v1;
	v1 =	vmul.f32 v47, v5  }
0x11c: {  	v57 =	vmul.f32 v24, v13;
	v49 =	vmul.f32 v19, v13;
	v19 =	vld [tilespmem:s18+$0xFFFFFC00]  }
0x11d: {  	v36 =	vld [tilespmem:s18+$0xFFFFFF90];
	v56 =	vmul.f32 v29, v13;
	[tilespmem:$0x1FF10] =	vst v1;
	v1 =	vmul.f32 v48, v5  }
0x11e: {  	v32 =	vld [tilespmem:s18+$0xFFFFFE90];
	v58 =	vmul.f32 v59, v5;
	v59 =	vmul.f32 v50, v8  }
0x11f: {  	v29 =	vld [tilespmem:s18+$0xFFFFFC10];
	v50 =	vmul.f32 v43, v10;
	[tilespmem:$0x1FF20] =	vst v1;
	v1 =	vmul.f32 v33, v9  }
0x120: {  	v43 =	vld [tilespmem:s18+$0xFFFFFC30];
	v20 =	vmul.f32 v35, v18;
	v35 =	vmul.f32 v38, v21  }
0x121: {  	v38 =	vld [tilespmem:s18+$0xFFFFFC20];
	v47 =	vmul.f32 v37, v9;
	[tilespmem:$0x1FE20] =	vst v1;
	v1 =	vmul.f32 v34, v9  }
0x122: {  	v37 =	vld [tilespmem:s18+$0xFFFFFD80];
	v19 =	vmul.f32 v31, v19;
	v24 =	vmul.f32 v36, v18  }
0x123: {  	v34 =	vmul.f32 v45, v23;
	v45 =	vld [tilespmem:$0x1FD70];
	[tilespmem:$0x1FE40] =	vst v1;
	v1 =	vmul.f32 v42, v9  }
0x124: {  	v36 =	vmul.f32 v39, v21;
	v39 =	vmul.f32 v61, v22;
	v61 =	vld [tilespmem:s18+$0xFFFFFD20]  }
0x125: {  	v48 =	vmul.f32 v40, v9;
	v40 =	vld [tilespmem:s18+$0xFFFFFD90];
	[tilespmem:$0x1FF60] =	vst v1;
	v1 =	vmul.f32 v51, v10  }
0x126: {  	v19 =	vadd.f32 v19, v44;
	v44 =	vld [tilespmem:$0x1FD60];
	v38 =	vmul.f32 v38, v31  }
0x127: {  	v51 =	vld [tilespmem:s18+$0xFFFFFCB0];
	[tilespmem:$0x1FE00] =	vst v1;
	v1 =	vmul.f32 v52, v10  }
0x128: {  	v27 =	vbroadcast v30, $0x2;
	v26 =	vbroadcast v30, $0x3;
	v38 =	vadd.f32 v38, v45;
	v45 =	vld [tilespmem:$0x1FD80]  }
0x129: {  	[tilespmem:$0x1FFC0] =	vst v1;
	v1 =	vmul.f32 v16, v10;
	v16 =	vmul.f32 v17, v13;
	v17 =	vld [tilespmem:s18+$0xFFFFFC90]  }
0x12a: {  	v30 =	vbroadcast v30, $0x1;
	v42 =	vmul.f32 v63, v27;
	v63 =	vld [tilespmem:s18+$0xFFFFFD30]  }
0x12b: {  	v29 =	vmul.f32 v29, v31;
	[tilespmem:$0x1FFE0] =	vst v1;
	v1 =	vmul.f32 v0, v13;
	v0 =	vld [tilespmem:s18+$0xFFFFFC80]  }
0x12c: {  	v43 =	vmul.f32 v43, v31;
	v33 =	vld [tilespmem:s18+$0xFFFFFE00]  }
0x12d: {  	v46 =	vmul.f32 v46, v30;
	v29 =	vadd.f32 v29, v44;
	v44 =	vld [tilespmem:s18+$0xFFFFFDB0]  }
0x12e: {  	v52 =	vld [tilespmem:s18+$0xFFFFFDA0];
	v51 =	vmul.f32 v51, v30;
	v43 =	vadd.f32 v43, v45;
	v17 =	vmul.f32 v17, v30  }
0x12f: {  	v38 =	vadd.f32 v46, v38;
	v46 =	vmul.f32 v63, v27;
	v45 =	vld [tilespmem:s18+$0xFFFFFE20]  }
0x130: {  	v43 =	vadd.f32 v51, v43;
	v51 =	vld [tilespmem:s18+$0xFFFFFEA0];
	v0 =	vmul.f32 v0, v30;
	v17 =	vadd.f32 v17, v29  }
0x131: {  	v29 =	vld [tilespmem:s18+$0xFFFFFE30]  }
0x132: {  	v41 =	vmul.f32 v41, v27;
	v0 =	vadd.f32 v0, v19;
	v17 =	vadd.f32 v42, v17;
	v42 =	vld [tilespmem:s18+$0xFFFFFEB0]  }
0x133: {  	v19 =	vmul.f32 v61, v27;
	v61 =	vadd.f32 v46, v43;
	v46 =	vmov v58;
	v58 =	vld [tilespmem:s18+$0xFFFFFFB0]  }
0x134: {  	v40 =	vmul.f32 v40, v26;
	v43 =	vmov v11;
	v11 =	vld [tilespmem:$0x1FE40];
	v0 =	vadd.f32 v41, v0  }
0x135: {  	v41 =	vmul.f32 v52, v26;
	v52 =	vmovc v7;
	v19 =	vadd.f32 v19, v38;
	v7 =	vmul.f32 v44, v26;
	v44 =	vld [tilespmem:s18+$0xFFFFFF20]  }
0x136: {  	v37 =	vmul.f32 v37, v26;
	v17 =	vadd.f32 v40, v17;
	v40 =	vld [tilespmem:s18+$0xFFFFFF30]  }
0x137: {  	v19 =	vadd.f32 v41, v19;
	v41 =	vld [tilespmem:s18+$0xFFFFFFA0]  }
0x138: {  	v0 =	vadd.f32 v37, v0;
	v37 =	vld [tilespmem:s18+$0xFFFFFF40]  }
0x139: {  	v17 =	vadd.f32 v34, v17;
	v34 =	vld [tilespmem:$0x1FE10]  }
0x13a: {  	v63 =	vmul.f32 v45, v23;
	v38 =	vadd.f32 v7, v61;
	v7 =	vld [tilespmem:$0x1FE20]  }
0x13b: {  	v33 =	vmul.f32 v33, v23;
	v61 =	vmul.f32 v42, v22;
	v42 =	vld [tilespmem:$0x1FD90]  }
0x13c: {  	v32 =	vmul.f32 v32, v22;
	v19 =	vadd.f32 v63, v19;
	v63 =	vld [tilespmem:s18+$0xFFFFFFC0]  }
0x13d: {  	v0 =	vadd.f32 v33, v0;
	v33 =	vmul.f32 v51, v22;
	v51 =	vmov v6;
	v6 =	vld [tilespmem:$0x1FE00]  }
0x13e: {  	v29 =	vmul.f32 v29, v23;
	v17 =	vadd.f32 v32, v17;
	v32 =	vld [tilespmem:$0x1FE30]  }
0x13f: {  	v45 =	vmovc v55;
	v55 =	vmul.f32 v44, v21;
	v44 =	vmov v56;
	v56 =	vmul.f32 v40, v21;
	v40 =	vld [tilespmem:s18+$0xFFFFFEC0]  }
0x140: {  	v0 =	vadd.f32 v39, v0;
	v39 =	vld [tilespmem:s18+$0xFFFFFFD0]  }
0x141: {  	v29 =	vadd.f32 v29, v38;
	v38 =	vmov v25;
	v25 =	vld [tilespmem:$0x1FDB0]  }
0x142: {  	v19 =	vadd.f32 v33, v19;
	v33 =	vld [tilespmem:$0x1FDF0]  }
0x143: {  	v17 =	vadd.f32 v36, v17;
	v36 =	vmul.f32 v41, v18;
	v41 =	vld [tilespmem:$0x1FDA0]  }
0x144: {  	v29 =	vadd.f32 v61, v29;
	v0 =	vadd.f32 v35, v0;
	v35 =	vld [tilespmem:s18+$0xFFFFFF50]  }
0x145: {  	v19 =	vadd.f32 v55, v19;
	v55 =	vld [tilespmem:s18+$0xFFFFFED0]  }
0x146: {  	v29 =	vadd.f32 v56, v29;
	v56 =	vld [tilespmem:s18+$0xFFFFFE40]  }
0x147: {  	v58 =	vmul.f32 v58, v18;
	v24 =	vadd.f32 v24, v17;
	v17 =	vld [tilespmem:s18+$0xFFFFFE50]  }
0x148: {  	v20 =	vadd.f32 v20, v0;
	v19 =	vadd.f32 v36, v19;
	v0 =	vmul.f32 v37, v21;
	v37 =	vld [tilespmem:$0x1FDD0]  }
0x149: {  	p0 =	sne.s32 s19, $0x1C0;
	v60 =	vmul.f32 v60, v8;
	v29 =	vadd.f32 v58, v29;
	v24 =	vadd.f32 v16, v24;
	v16 =	vld [tilespmem:s18+$0xFFFFFDC0]  }
.Ltmp1:
0x14a: {  	v61 =	vmul.f32 v63, v18;
	v63 =	vmul.f32 v39, v18;
	v39 =	vmovc v28;
	v28 =	vld [tilespmem:$0x1FDC0];
	v20 =	vadd.f32 v1, v20;
	(pc) =	sbr.rel @p0 .LBB2_6-.Ltmp1, $4  }
0x14b: {  	v19 =	vadd.f32 v49, v19;
	v29 =	vadd.f32 v15, v29;
	v15 =	vld [tilespmem:s18+$0xFFFFFDD0];
	v49 =	vmul.f32 v40, v22  }
0x14c: {  	v40 =	vld [tilespmem:$0x1FDE0];
	v24 =	vadd.f32 v14, v24;
	v1 =	vmul.f32 v35, v21;
	v58 =	vadd.f32 v50, v20  }
0x14d: {  	v14 =	vld [tilespmem:s18+$0xFFFFFD40];
	v50 =	vmul.f32 v55, v22;
	v19 =	vadd.f32 v6, v19;
	v20 =	vadd.f32 v12, v29  }
0x14e: {  	s19 =	sadd.s32 $0x40, s19;
	v12 =	vld [tilespmem:s18+$0xFFFFFD50];
	v6 =	vmul.f32 v56, v23;
	v11 =	vadd.f32 v11, v24;
	v7 =	vadd.f32 v7, v58  }
0x14f: {  	v24 =	vld [tilespmem:s18+$0xFFFFFCC0]  }
0x150: {  	v29 =	vld [tilespmem:s18+$0xFFFFFC40]  }
0x151: {  	v58 =	vld [tilespmem:s18+$0xFFFFFC50]  }
0x152: {  	v36 =	vld [tilespmem:s18+$0xFFFFFCF0]  }
0x153: {  	v19 =	vadd.f32 v47, v19;
	v47 =	vld [tilespmem:s18+$0xFFFFFD60]  }
0x154: {  	v20 =	vadd.f32 v48, v20;
	v48 =	vld [tilespmem:$0x1FE50]  }
0x155: {  	v55 =	vld [tilespmem:$0x1FE70]  }
0x156: {  	v56 =	vld [tilespmem:$0x1FE80]  }
0x157: {  	v11 =	vadd.f32 v59, v11;
	v59 =	vld [tilespmem:s18+$0xFFFFFC60]  }
0x158: {  	v7 =	vadd.f32 v54, v7;
	v54 =	vld [tilespmem:s18+$0xFFFFFD70]  }
0x159: {  	v19 =	vadd.f32 v60, v19;
	v60 =	vld [tilespmem:s18+$0xFFFFFC70]  }
0x15a: {  	v20 =	vadd.f32 v62, v20;
	v62 =	vld [tilespmem:s18+$0xFFFFFCD0]  }
0x15b: {  	v11 =	vadd.f32 v46, v11;
	v46 =	vld [tilespmem:$0x1FEB0]  }
0x15c: {  	v19 =	vadd.f32 v3, v19;
	v20 =	vadd.f32 v51, v20;
	v51 =	vld [tilespmem:$0x1FE60]  }
0x15d: {  	v11 =	vadd.f32 v37, v11;
	v37 =	vld [tilespmem:s18+$0xFFFFFE70]  }
0x15e: {  	v7 =	vadd.f32 v32, v7;
	v19 =	vadd.f32 v40, v19;
	v40 =	vld [tilespmem:s18+$0xFFFFFCE0]  }
0x15f: {  	v29 =	vmul.f32 v29, v31;
	v20 =	vadd.f32 v41, v20;
	v41 =	vld [tilespmem:$0x1FE90]  }
0x160: {  	v7 =	vadd.f32 v33, v7;
	v32 =	vmul.f32 v58, v31;
	v33 =	vmul.f32 v59, v31;
	v59 =	vld [tilespmem:s18+$0xFFFFFDE0]  }
0x161: {  	v58 =	vmul.f32 v36, v30;
	v36 =	vmul.f32 v54, v27;
	v54 =	vld [tilespmem:s18+$0xFFFFFFE0]  }
0x162: {  	v7 =	vadd.f32 v28, v7;
	v28 =	vmul.f32 v62, v30;
	v62 =	vld [tilespmem:s18+$0xFFFFFDF0]  }
0x163: {  	v24 =	vmul.f32 v24, v30;
	v29 =	vadd.f32 v29, v48;
	v48 =	vld [tilespmem:s18+$0xFFFFFF70]  }
0x164: {  	v20 =	vadd.f32 v43, v20;
	v43 =	vld [tilespmem:$0x1FEA0]  }
0x165: {  	v19 =	vadd.f32 v42, v19;
	v42 =	vmul.f32 v60, v31;
	v24 =	vadd.f32 v24, v29;
	v29 =	vld [tilespmem:$0x1FFC0]  }
0x166: {  	v31 =	vadd.f32 v32, v51;
	v32 =	vld [tilespmem:$0x1FFE0]  }
0x167: {  	v35 =	vadd.f32 v25, v7;
	v25 =	vadd.f32 v42, v56;
	v42 =	vld [tilespmem:s18+$0xFFFFFEF0]  }
0x168: {  	v7 =	vadd.f32 v46, v20;
	v46 =	vld [tilespmem:s18+$0xFFFFFF60]  }
0x169: {  	v16 =	vmul.f32 v16, v26;
	v14 =	vmul.f32 v14, v27;
	v11 =	vadd.f32 v34, v11;
	v56 =	vld [tilespmem:s18+$0xFFFFFFF0]  }
0x16a: {  	v12 =	vmul.f32 v12, v27;
	v20 =	vmul.f32 v47, v27;
	v27 =	vld [tilespmem:s18+$0x170]  }
0x16b: {  	v33 =	vadd.f32 v33, v55;
	v11 =	vadd.f32 v41, v11;
	v34 =	vmul.f32 v40, v30;
	v40 =	vld [tilespmem:s18+$0xFFFFFEE0]  }
0x16c: {  	v28 =	vadd.f32 v28, v31;
	v14 =	vadd.f32 v14, v24;
	v41 =	vmul.f32 v59, v26;
	v59 =	vld [tilespmem:s18+$0x70]  }
0x16d: {  	v17 =	vmul.f32 v17, v23;
	v25 =	vadd.f32 v58, v25;
	v60 =	vadd.f32 v34, v33;
	v34 =	vld [tilespmem:s18+$0xFFFFFE60]  }
0x16e: {  	v15 =	vmul.f32 v15, v26;
	v30 =	vld [tilespmem:s18+$0x1F0];
	v19 =	vadd.f32 v43, v19;
	v12 =	vadd.f32 v12, v28  }
0x16f: {  	v58 =	vld [tilespmem:s18+$0x60];
	v14 =	vadd.f32 v16, v14;
	v43 =	vmul.f32 v62, v26;
	v25 =	vadd.f32 v36, v25  }
0x170: {  	v51 =	vmul.f32 v37, v23;
	v62 =	vld [tilespmem:s18+$0xF0];
	v20 =	vadd.f32 v20, v60;
	v12 =	vadd.f32 v15, v12  }
0x171: {  	v28 =	vld [tilespmem:s18+$0x1E0];
	v6 =	vadd.f32 v6, v14;
	v16 =	vmul.f32 v42, v22;
	v25 =	vadd.f32 v43, v25  }
0x172: {  	v33 =	vld [tilespmem:s18+$0x260];
	v20 =	vadd.f32 v41, v20;
	v12 =	vadd.f32 v17, v12;
	v47 =	vmul.f32 v34, v23  }
0x173: {  	v36 =	vld [tilespmem:s18+$0x270];
	v15 =	vmul.f32 v46, v21;
	v6 =	vadd.f32 v49, v6;
	v23 =	vadd.f32 v51, v25  }
0x174: {  	v60 =	vld [tilespmem:s18+$0xE0];
	v55 =	vmul.f32 v40, v22;
	v12 =	vadd.f32 v50, v12;
	v20 =	vadd.f32 v47, v20  }
0x175: {  	v14 =	vmul.f32 v48, v21;
	v42 =	vld [tilespmem:s18+$0x2F0];
	v0 =	vadd.f32 v0, v6;
	v16 =	vadd.f32 v16, v23  }
0x176: {  	v24 =	vmul.f32 v56, v18;
	v46 =	vld [tilespmem:$0x1FF10];
	v1 =	vadd.f32 v1, v12;
	v20 =	vadd.f32 v55, v20  }
0x177: {  	v37 =	vmul.f32 v27, v9;
	v56 =	vld [tilespmem:$0x1FF00];
	v0 =	vadd.f32 v61, v0;
	v14 =	vadd.f32 v14, v16  }
0x178: {  	v40 =	vld [tilespmem:$0x1FF60];
	v17 =	vmul.f32 v54, v18;
	v1 =	vadd.f32 v63, v1;
	v15 =	vadd.f32 v15, v20  }
0x179: {  	v25 =	vld [tilespmem:s18+$0x160];
	v6 =	vmul.f32 v59, v13;
	v0 =	vadd.f32 v57, v0;
	v14 =	vadd.f32 v24, v14  }
0x17a: {  	v26 =	vmul.f32 v58, v13;
	v41 =	vld [tilespmem:s18+$0x2E0];
	v1 =	vadd.f32 v44, v1;
	v15 =	vadd.f32 v17, v15  }
0x17b: {  	v49 =	vld [tilespmem:$0x1FF20];
	v31 =	vmul.f32 v62, v10;
	v0 =	vadd.f32 v29, v0;
	v6 =	vadd.f32 v6, v14  }
0x17c: {  	v54 =	vld [tilespmem:s18+$0x3F0];
	v12 =	vmul.f32 v60, v10;
	v1 =	vadd.f32 v32, v1;
	v15 =	vadd.f32 v26, v15  }
0x17d: {  	v43 =	vmul.f32 v30, v8;
	v58 =	vld [tilespmem:$0x1FEE0];
	v0 =	vadd.f32 v45, v0;
	v6 =	vadd.f32 v31, v6  }
0x17e: {  	v51 =	vld [tilespmem:$0x1FEF0];
	v34 =	vmul.f32 v25, v9;
	v1 =	vadd.f32 v40, v1;
	v12 =	vadd.f32 v12, v15  }
0x17f: {  	v13 =	vmul.f32 v28, v8;
	v50 =	vld [tilespmem:s18+$0x3E0];
	v0 =	vadd.f32 v38, v0;
	v6 =	vadd.f32 v37, v6  }
0x180: {  	v48 =	vmul.f32 v36, v5;
	v47 =	vld [tilespmem:s18+$0x370];
	v1 =	vadd.f32 v39, v1;
	v12 =	vadd.f32 v34, v12  }
0x181: {  	v10 =	vmul.f32 v41, v4;
	v44 =	vld [tilespmem:s18+$0x360];
	v0 =	vadd.f32 v46, v0;
	v6 =	vadd.f32 v43, v6  }
0x182: {  	v60 =	vld [tilespmem:$0x1FEC0];
	v45 =	vmul.f32 v33, v5;
	v1 =	vadd.f32 v49, v1;
	v12 =	vadd.f32 v13, v12  }
0x183: {  	v62 =	vld [tilespmem:$0x1FED0];
	v55 =	vmul.f32 v42, v4;
	v0 =	vadd.f32 v51, v0;
	v5 =	vadd.f32 v48, v6  }
0x184: {  	v61 =	vmul.f32 v50, v2;
	v1 =	vadd.f32 v56, v1;
	v12 =	vadd.f32 v45, v12  }
0x185: {  	[tilespmem:s17+$0x4400] =	vst v35;
	v3 =	vmul.f32 v47, v53;
	v0 =	vadd.f32 v52, v0;
	v4 =	vadd.f32 v55, v5  }
0x186: {  	s16 =	sadd.s32 $0x1, s16;
	[tilespmem:s17+$0x4410] =	vst v11;
	v9 =	vmul.f32 v44, v53;
	v1 =	vadd.f32 v58, v1;
	v57 =	vadd.f32 v10, v12  }
0x187: {  	p0 =	sne.s32 s16, $0x20;
	v2 =	vmul.f32 v54, v2;
	[tilespmem:s17+$0x4420] =	vst v19;
	v0 =	vadd.f32 v60, v0;
	v3 =	vadd.f32 v3, v4  }
.Ltmp2:
0x188: {  	[tilespmem:s17+$0x4430] =	vst v7;
	v1 =	vadd.f32 v62, v1;
	v59 =	vadd.f32 v9, v57;
	(pc) =	sbr.rel @p0 .LBB2_5-.Ltmp2, $4  }
0x189: {  	[tilespmem:s17+$0x4440] =	vst v0;
	v0 =	vadd.f32 v2, v3  }
0x18a: {  	[tilespmem:s17+$0x4450] =	vst v1;
	v63 =	vadd.f32 v61, v59  }
0x18b: {  	[tilespmem:s17+$0x4470] =	vst v0  }
0x18c: {  	v0 =	vld [tilespmem:$0x1FFF0];
	[tilespmem:s17+$0x4460] =	vst v63  }
0x18d: {  	s15 =	sadd.s32 $0x1, s15  }
0x18e: {  	p0 =	sne.s32 s15, $0x8  }
.Ltmp3:
0x18f: {  	_ = 	snop;
	(pc) =	sbr.rel @p0 .LBB2_4-.Ltmp3, $2  }
0x190: {  	_ =	sdelay $0x2  }
0x191: {  	s14 =	sadd.s32 $0x80, s14  }
0x192: {  	s12 =	sadd.s32 $0x1, s12  }
0x193: {  	p0 =	sne.s32 s12, s7  }
.Ltmp4:
0x194: {  	_ = 	snop;
	(pc) =	sbr.rel @p0 .LBB2_1-.Ltmp4, $4  }
0x195: {  	[hbm4b:s6+s5] =	stream.linear.scatter [tilespmem:s11], [sflag:$0x1], $0x1000, $0x38;
	[tilespmem:$0x5400] =	vst v63  }
0x196: {  	_ =	swait.ge [sflag:s8], $0x1000  }
0x197: {  	[sflag:s8] =	ssyncset.done $0x0  }
0x198: {  	v0 =	vimm.f32 $0.0e+00;
	[sflag:s8] =	ssyncadd.s32 $0xFFFFF000  }
0x199: {  	_ =	sfence.sel $0x180000  }
0x19a: {  	[bflag:$0x0] =	sbarrier.arrive $0xFFFF  }
0x19b: {  	p0 =	sne.s32 s0, $0x0;
	_ =	strace $0x90000047  }
0x19c: {  	s0 =	sadd.s32 @!p0 $0x100000, s2;
	[bflag:$0x2] =	sbarrier.arrive $0xFFFF  }
0x19d: {  	[sflag:s0] =	ssyncadd.tile.s32 @!p0 $0x1;
	_ =	shalt  }
.Lfunc_end2:
_tile_overlayer_lowered:
.L_overlay_start_2:
0x19e: {  	(tag) =	ssettag $0x2  }
0x19f: {  	s0 =	rddreg [dreg:$0x0];
	s2 =	stileid.u32  }
0x1a0: {  	s1 =	rddreg [dreg:$0x1];
	p0 =	sne.s32 s2, $0x0  }
0x1a1: {  	s3 =	rddreg [dreg:$0x2];
	[bflag:$0x3] =	sbarrier.arrive $0xFFFF;
	s2 =	simm.s32 @!p0 $0x1C01  }
0x1a2: {  	[timem:s3], [sflag:s2] =	dma.local @!p0 [hbm:s0], s1  }
0x1a3: {  	s0 =	simm.s32 @!p0 $0x1  }
0x1a4: {  	_ =	swait.ge @!p0 [sflag:s0], s1  }
0x1a5: {  	s1 =	ssub.s32 @!p0 $0x0, s1;
	[sflag:s0] =	ssyncset.done @!p0 $0x0  }
0x1a6: {  	[sflag:s0] =	ssyncadd.s32 @!p0 s1  }
0x1a7: {  	[bflag:$0x3] =	sbarrier.arrive $0xFFFF  }
0x1a8: {  	_ =	shalt  }

</sc_bundles>
